<compile_context>
chip_gen: v7x
topology: tpu7x:2x2x1
jax: 0.10.2.dev20260603
libtpu: 0.0.44.dev20260713+nightly
codegen_flags: <defaults>
</compile_context>

<pallas_src>
import jax
import jax.numpy as jnp
from jax import lax
from jax.experimental import pallas as pl
from jax.experimental.pallas import tpu as pltpu
from jax.experimental.pallas import tpu_sc as plsc

_NTOK = 16384
_D = 64
_VOCAB = 1000000
_NC = 2
_NS = 16
_NW = _NC * _NS
_PER_W = _NTOK // _NW
_CHUNK = 128
_NCHUNK = _PER_W // _CHUNK
_LANES = 16
_HPAD = 1000064
_VLO1 = 500096
_VSZ0 = _VLO1
_VSZ1 = _HPAD - _VLO1
_TRASH = _VLO1
_HSC = _VLO1 + _CHUNK
_PIDS = _NTOK // _NS
_ICH = _PIDS // _CHUNK
_ZCH = 31232
_ZL0 = _VSZ0 - 15 * _ZCH
_ZL1 = _VSZ1 - 15 * _ZCH
_C = 32256
_NMAIN = 31 * _C
_TAIL = _VOCAB - _NMAIN


def _hist_body(ids_hbm, zeros_hbm, out_hbm, idx_v, vals_v, zbuf_v, hist_sh):
    c = lax.axis_index("c")
    s = lax.axis_index("s")
    lo = c * _VLO1

    pltpu.sync_copy(ids_hbm.at[c, s], idx_v)

    for ci in range(_CHUNK // _LANES):
        vals_v[pl.ds(ci * _LANES, _LANES)] = jnp.full((_LANES,), 1.0,
                                                      jnp.float32)

    pltpu.sync_copy(zeros_hbm, zbuf_v)

    @pl.when(s < _NS - 1)
    def _zmain():
        pltpu.sync_copy(zbuf_v.at[pl.ds(0, _ZCH)],
                        hist_sh.at[pl.ds(s * _ZCH, _ZCH)])

    @pl.when((s == _NS - 1) & (c == 0))
    def _zlast0():
        pltpu.sync_copy(zbuf_v.at[pl.ds(0, _ZL0)],
                        hist_sh.at[pl.ds(15 * _ZCH, _ZL0)])

    @pl.when((s == _NS - 1) & (c == 1))
    def _zlast1():
        pltpu.sync_copy(zbuf_v.at[pl.ds(0, _ZL1)],
                        hist_sh.at[pl.ds(15 * _ZCH, _ZL1)])

    plsc.subcore_barrier()

    for k in range(_ICH):
        pltpu.sync_copy(vals_v, hist_sh.at[idx_v.at[k]], add=True)
    plsc.subcore_barrier()

    @pl.when(s < _NS - 1)
    def _dmain():
        zpart = zbuf_v.at[pl.ds(0, _ZCH)]
        pltpu.sync_copy(hist_sh.at[pl.ds(s * _ZCH, _ZCH)], zpart)
        pltpu.sync_copy(zpart, out_hbm.at[0, pl.ds(lo + s * _ZCH, _ZCH)])

    @pl.when((s == _NS - 1) & (c == 0))
    def _dlast0():
        zpart = zbuf_v.at[pl.ds(0, _ZL0)]
        pltpu.sync_copy(hist_sh.at[pl.ds(15 * _ZCH, _ZL0)], zpart)
        pltpu.sync_copy(zpart, out_hbm.at[0, pl.ds(15 * _ZCH, _ZL0)])

    @pl.when((s == _NS - 1) & (c == 1))
    def _dlast1():
        zpart = zbuf_v.at[pl.ds(0, _ZL1)]
        pltpu.sync_copy(hist_sh.at[pl.ds(15 * _ZCH, _ZL1)], zpart)
        pltpu.sync_copy(
            zpart, out_hbm.at[0, pl.ds(_VLO1 + 15 * _ZCH, _ZL1)])


def _scan_body(tbl_ref, cnt_ref, ctail_ref, ttail_ref, w_ref, o_ref, acc_v):
    i = pl.program_id(0)

    @pl.when(i == 0)
    def _init():
        acc_v[...] = jnp.zeros_like(acc_v)

    acc_v[...] += jnp.dot(
        tbl_ref[...], cnt_ref[0, :], preferred_element_type=jnp.float32
    )[None, :]

    @pl.when(i == _NMAIN // _C - 1)
    def _finish():
        tail = jnp.dot(ttail_ref[...], ctail_ref[0, :_TAIL],
                       preferred_element_type=jnp.float32)
        pooled = (acc_v[0, :] + tail) * (1.0 / _NTOK)
        o_ref[...] = lax.dot_general(
            pooled[None, :], w_ref[...],
            dimension_numbers=(((1,), (1,)), ((), ())),
            preferred_element_type=jnp.float32,
        )


@jax.jit
def _run(ids, emb_t, w):
    mesh = plsc.VectorSubcoreMesh(core_axis_name="c", subcore_axis_name="s")
    counts = pl.kernel(
        _hist_body,
        out_type=jax.ShapeDtypeStruct((1, _HPAD), jnp.float32),
        mesh=mesh,
        scratch_types=[
            pltpu.VMEM((_ICH, _CHUNK), jnp.int32),
            pltpu.VMEM((_CHUNK,), jnp.float32),
            pltpu.VMEM((_ZL0,), jnp.float32),
            pltpu.VMEM_SHARED((_HSC,), jnp.float32),
        ],
        name="token_histogram_sc",
    )(ids, jnp.zeros((_ZL0,), jnp.float32))

    ttail = lax.slice(emb_t, (0, _NMAIN), (_D, _VOCAB))
    tail_blk = _NMAIN // 128
    out = pl.pallas_call(
        _scan_body,
        grid=(_NMAIN // _C,),
        in_specs=[
            pl.BlockSpec((_D, _C), lambda i: (0, i)),
            pl.BlockSpec((1, _C), lambda i: (0, i)),
            pl.BlockSpec((1, 128), lambda i: (0, tail_blk)),
            pl.BlockSpec((_D, _TAIL), lambda i: (0, 0)),
            pl.BlockSpec((_D, _D), lambda i: (0, 0)),
        ],
        out_specs=pl.BlockSpec((1, _D), lambda i: (0, 0)),
        out_shape=jax.ShapeDtypeStruct((1, _D), jnp.float32),
        scratch_shapes=[pltpu.VMEM((1, _D), jnp.float32)],
        name="table_scan_matvec_tc",
    )(emb_t, counts, counts, ttail, w)
    return out


def kernel(token_ids, embedding, W):
    tok = token_ids.astype(jnp.int32)
    lo = jnp.array([0, _VLO1], jnp.int32)[:, None]
    sz = jnp.array([_VSZ0, _VSZ1], jnp.int32)[:, None]
    rel = tok[None, :] - lo
    trash = _TRASH + (jnp.arange(_NTOK, dtype=jnp.int32) % _CHUNK)[None, :]
    ids = jnp.where((rel >= 0) & (rel < sz), rel,
                    trash).reshape(_NC, _NS, _ICH, _CHUNK)
    return _run(ids, embedding.T, W)

# --- scband reference (transcript-rebuilt; emitter-appended) ---
"""Pipeline reference for scband-input-adapter-24507083391491 (READ-ONLY COPY).

The authoritative reference and input builder live on the scoring server;
editing this copy changes nothing except your own understanding.
"""

import jax, jax.numpy as jnp
import numpy as np

VOCAB = 1000000
DIM = 64
NTOK = 16384

def setup_inputs(seed: int = 0) -> dict:
    key = jax.random.key(seed)
    k1, k2, k3 = jax.random.split(key, 3)
    token_ids = jax.random.randint(k1, (NTOK,), 0, VOCAB, dtype=jnp.int64 if jax.config.jax_enable_x64 else jnp.int32)
    embedding = jax.random.normal(k2, (VOCAB, DIM), dtype=jnp.float32)
    W = jax.random.normal(k3, (DIM, DIM), dtype=jnp.float32) * (1.0 / np.sqrt(DIM))
    return {"token_ids": token_ids, "embedding": embedding, "W": W}

def reference(token_ids, embedding, W):
    # e = self.embedding(tokens)
    e = jnp.take(embedding, token_ids, axis=0)
    # pooled = e.mean(dim=0, keepdim=True)
    pooled = jnp.mean(e, axis=0, keepdims=True)
    # self.compress(pooled): nn.Linear(dim, dim, bias=False) -> pooled @ W.T
    out = pooled @ W.T
    return out

if __name__ == "__main__":
    import jax
    _d = setup_inputs()
    print(jax.jit(kernel)(*tuple(_d.values())))

</pallas_src>

<mosaic_0001>
#map = affine_map<(d0, d1) -> (0, 0, 0, 0)>
#map1 = affine_map<(d0, d1) -> (0)>
#map2 = affine_map<(d0, d1) -> (0, 0)>
module attributes {stable_mosaic.version = 14 : i64} {
  func.func @token_histogram_sc(%arg0: i32, %arg1: i32, %arg2: memref<2x16x8x128xi32, #tpu.memory_space<hbm>>, %arg3: memref<31616xf32, #tpu.memory_space<hbm>>, %arg4: memref<1x1000064xf32, #tpu.memory_space<hbm>>, %arg5: memref<8x128xi32, #tpu.memory_space<vmem>>, %arg6: memref<128xf32, #tpu.memory_space<vmem>>, %arg7: memref<31616xf32, #tpu.memory_space<vmem>>, %arg8: memref<500224xf32, #tpu.memory_space<vmem_shared>>) attributes {dimension_semantics = [#tpu.dimension_semantics<core_parallel>, #tpu.dimension_semantics<subcore_parallel>], iteration_bounds = array<i64: 2, 16>, scalar_prefetch = 0 : i64, scratch_operands = 4 : i64, tpu.core_type = #tpu.core_type<sc_vector_subcore>, window_params = [{transform_indices = #map}, {transform_indices = #map1}, {transform_indices = #map2}]} {
    %mul3A = arith.constant 500096 : i32
    %mul3A_0 = arith.muli %arg0, %mul3A : i32
    "tpu.region"() ({
      %run_scoped3A_92 = tpu.sem_alloc : memref<!tpu.dma_semaphore, #tpu.memory_space<semaphore_mem>>
      %dma_start3A = arith.constant 0 : i32
      %dma_start3A_93 = arith.constant 0 : i32
      %dma_start3A_94 = tpu.memref_slice %arg2[%arg0, %arg1, %dma_start3A, %dma_start3A_93] : memref<2x16x8x128xi32, #tpu.memory_space<hbm>> -> memref<1x1x8x128xi32, #tpu.memory_space<hbm>>
      %dma_start3A_95 = tpu.memref_squeeze %dma_start3A_94 : memref<1x1x8x128xi32, #tpu.memory_space<hbm>> -> memref<8x128xi32, #tpu.memory_space<hbm>>
      %dma_start3A_96 = arith.constant 0 : i32
      %dma_start3A_97 = arith.constant 0 : i32
      %dma_start3A_98 = tpu.memref_slice %arg2[%arg0, %arg1, %dma_start3A_96, %dma_start3A_97] : memref<2x16x8x128xi32, #tpu.memory_space<hbm>> -> memref<1x1x8x128xi32, #tpu.memory_space<hbm>>
      %dma_start3A_99 = tpu.memref_squeeze %dma_start3A_98 : memref<1x1x8x128xi32, #tpu.memory_space<hbm>> -> memref<8x128xi32, #tpu.memory_space<hbm>>
      tpu.enqueue_dma source(%dma_start3A_99 : memref<8x128xi32, #tpu.memory_space<hbm>>) target(%arg5 : memref<8x128xi32, #tpu.memory_space<vmem>>) target_semaphore(%run_scoped3A_92 : memref<!tpu.dma_semaphore, #tpu.memory_space<semaphore_mem>>)
      %dma_wait3A = arith.constant 0 : i32
      %dma_wait3A_100 = arith.constant 0 : i32
      %dma_wait3A_101 = tpu.memref_slice %arg2[%arg0, %arg1, %dma_wait3A, %dma_wait3A_100] : memref<2x16x8x128xi32, #tpu.memory_space<hbm>> -> memref<1x1x8x128xi32, #tpu.memory_space<hbm>>
      %dma_wait3A_102 = tpu.memref_squeeze %dma_wait3A_101 : memref<1x1x8x128xi32, #tpu.memory_space<hbm>> -> memref<8x128xi32, #tpu.memory_space<hbm>>
      %dma_wait3A_103 = arith.constant 0 : i32
      %dma_wait3A_104 = arith.constant 0 : i32
      %dma_wait3A_105 = tpu.memref_slice %arg2[%arg0, %arg1, %dma_wait3A_103, %dma_wait3A_104] : memref<2x16x8x128xi32, #tpu.memory_space<hbm>> -> memref<1x1x8x128xi32, #tpu.memory_space<hbm>>
      %dma_wait3A_106 = tpu.memref_squeeze %dma_wait3A_105 : memref<1x1x8x128xi32, #tpu.memory_space<hbm>> -> memref<8x128xi32, #tpu.memory_space<hbm>>
      tpu.wait_dma2 semaphore(%run_scoped3A_92 : memref<!tpu.dma_semaphore, #tpu.memory_space<semaphore_mem>>) src(%dma_wait3A_106 : memref<8x128xi32, #tpu.memory_space<hbm>>) dst(%arg5 : memref<8x128xi32, #tpu.memory_space<vmem>>)
      tpu.yield
    }) : () -> ()
    %broadcast_in_dim3A = arith.constant 1.000000e+00 : f32
    %broadcast_in_dim3A_1 = vector.broadcast %broadcast_in_dim3A : f32 to vector<16xf32>
    %swap3A = arith.constant 0 : index
    %swap3A_2 = tpu.vector_load %arg6[%swap3A] {strides = array<i32>} : memref<128xf32, #tpu.memory_space<vmem>>, vector<16xf32>,
    %swap3A_3 = vector.shape_cast %swap3A_2 : vector<16xf32> to vector<16xf32>
    %swap3A_4 = vector.shape_cast %broadcast_in_dim3A_1 : vector<16xf32> to vector<16xf32>
    tpu.vector_store %arg6[%swap3A], %swap3A_4 {strides = array<i32>} : memref<128xf32, #tpu.memory_space<vmem>>, vector<16xf32>,
    %broadcast_in_dim3A_5 = arith.constant 1.000000e+00 : f32
    %broadcast_in_dim3A_6 = vector.broadcast %broadcast_in_dim3A_5 : f32 to vector<16xf32>
    %swap3A_7 = arith.constant 16 : index
    %swap3A_8 = tpu.vector_load %arg6[%swap3A_7] {strides = array<i32>} : memref<128xf32, #tpu.memory_space<vmem>>, vector<16xf32>,
    %swap3A_9 = vector.shape_cast %swap3A_8 : vector<16xf32> to vector<16xf32>
    %swap3A_10 = vector.shape_cast %broadcast_in_dim3A_6 : vector<16xf32> to vector<16xf32>
    tpu.vector_store %arg6[%swap3A_7], %swap3A_10 {strides = array<i32>} : memref<128xf32, #tpu.memory_space<vmem>>, vector<16xf32>,
    %broadcast_in_dim3A_11 = arith.constant 1.000000e+00 : f32
    %broadcast_in_dim3A_12 = vector.broadcast %broadcast_in_dim3A_11 : f32 to vector<16xf32>
    %swap3A_13 = arith.constant 32 : index
    %swap3A_14 = tpu.vector_load %arg6[%swap3A_13] {strides = array<i32>} : memref<128xf32, #tpu.memory_space<vmem>>, vector<16xf32>,
    %swap3A_15 = vector.shape_cast %swap3A_14 : vector<16xf32> to vector<16xf32>
    %swap3A_16 = vector.shape_cast %broadcast_in_dim3A_12 : vector<16xf32> to vector<16xf32>
    tpu.vector_store %arg6[%swap3A_13], %swap3A_16 {strides = array<i32>} : memref<128xf32, #tpu.memory_space<vmem>>, vector<16xf32>,
    %broadcast_in_dim3A_17 = arith.constant 1.000000e+00 : f32
    %broadcast_in_dim3A_18 = vector.broadcast %broadcast_in_dim3A_17 : f32 to vector<16xf32>
    %swap3A_19 = arith.constant 48 : index
    %swap3A_20 = tpu.vector_load %arg6[%swap3A_19] {strides = array<i32>} : memref<128xf32, #tpu.memory_space<vmem>>, vector<16xf32>,
    %swap3A_21 = vector.shape_cast %swap3A_20 : vector<16xf32> to vector<16xf32>
    %swap3A_22 = vector.shape_cast %broadcast_in_dim3A_18 : vector<16xf32> to vector<16xf32>
    tpu.vector_store %arg6[%swap3A_19], %swap3A_22 {strides = array<i32>} : memref<128xf32, #tpu.memory_space<vmem>>, vector<16xf32>,
    %broadcast_in_dim3A_23 = arith.constant 1.000000e+00 : f32
    %broadcast_in_dim3A_24 = vector.broadcast %broadcast_in_dim3A_23 : f32 to vector<16xf32>
    %swap3A_25 = arith.constant 64 : index
    %swap3A_26 = tpu.vector_load %arg6[%swap3A_25] {strides = array<i32>} : memref<128xf32, #tpu.memory_space<vmem>>, vector<16xf32>,
    %swap3A_27 = vector.shape_cast %swap3A_26 : vector<16xf32> to vector<16xf32>
    %swap3A_28 = vector.shape_cast %broadcast_in_dim3A_24 : vector<16xf32> to vector<16xf32>
    tpu.vector_store %arg6[%swap3A_25], %swap3A_28 {strides = array<i32>} : memref<128xf32, #tpu.memory_space<vmem>>, vector<16xf32>,
    %broadcast_in_dim3A_29 = arith.constant 1.000000e+00 : f32
    %broadcast_in_dim3A_30 = vector.broadcast %broadcast_in_dim3A_29 : f32 to vector<16xf32>
    %swap3A_31 = arith.constant 80 : index
    %swap3A_32 = tpu.vector_load %arg6[%swap3A_31] {strides = array<i32>} : memref<128xf32, #tpu.memory_space<vmem>>, vector<16xf32>,
    %swap3A_33 = vector.shape_cast %swap3A_32 : vector<16xf32> to vector<16xf32>
    %swap3A_34 = vector.shape_cast %broadcast_in_dim3A_30 : vector<16xf32> to vector<16xf32>
    tpu.vector_store %arg6[%swap3A_31], %swap3A_34 {strides = array<i32>} : memref<128xf32, #tpu.memory_space<vmem>>, vector<16xf32>,
    %broadcast_in_dim3A_35 = arith.constant 1.000000e+00 : f32
    %broadcast_in_dim3A_36 = vector.broadcast %broadcast_in_dim3A_35 : f32 to vector<16xf32>
    %swap3A_37 = arith.constant 96 : index
    %swap3A_38 = tpu.vector_load %arg6[%swap3A_37] {strides = array<i32>} : memref<128xf32, #tpu.memory_space<vmem>>, vector<16xf32>,
    %swap3A_39 = vector.shape_cast %swap3A_38 : vector<16xf32> to vector<16xf32>
    %swap3A_40 = vector.shape_cast %broadcast_in_dim3A_36 : vector<16xf32> to vector<16xf32>
    tpu.vector_store %arg6[%swap3A_37], %swap3A_40 {strides = array<i32>} : memref<128xf32, #tpu.memory_space<vmem>>, vector<16xf32>,
    %broadcast_in_dim3A_41 = arith.constant 1.000000e+00 : f32
    %broadcast_in_dim3A_42 = vector.broadcast %broadcast_in_dim3A_41 : f32 to vector<16xf32>
    %swap3A_43 = arith.constant 112 : index
    %swap3A_44 = tpu.vector_load %arg6[%swap3A_43] {strides = array<i32>} : memref<128xf32, #tpu.memory_space<vmem>>, vector<16xf32>,
    %swap3A_45 = vector.shape_cast %swap3A_44 : vector<16xf32> to vector<16xf32>
    %swap3A_46 = vector.shape_cast %broadcast_in_dim3A_42 : vector<16xf32> to vector<16xf32>
    tpu.vector_store %arg6[%swap3A_43], %swap3A_46 {strides = array<i32>} : memref<128xf32, #tpu.memory_space<vmem>>, vector<16xf32>,
    "tpu.region"() ({
      %run_scoped3A_92 = tpu.sem_alloc : memref<!tpu.dma_semaphore, #tpu.memory_space<semaphore_mem>>
      tpu.enqueue_dma source(%arg3 : memref<31616xf32, #tpu.memory_space<hbm>>) target(%arg7 : memref<31616xf32, #tpu.memory_space<vmem>>) target_semaphore(%run_scoped3A_92 : memref<!tpu.dma_semaphore, #tpu.memory_space<semaphore_mem>>)
      tpu.wait_dma2 semaphore(%run_scoped3A_92 : memref<!tpu.dma_semaphore, #tpu.memory_space<semaphore_mem>>) src(%arg3 : memref<31616xf32, #tpu.memory_space<hbm>>) dst(%arg7 : memref<31616xf32, #tpu.memory_space<vmem>>)
      tpu.yield
    }) : () -> ()
    %lt3A = arith.constant 15 : i32
    %lt3A_47 = arith.cmpi slt, %arg1, %lt3A : i32
    %convert_element_type3A = arith.extui %lt3A_47 : i1 to i32
    %cond3A = arith.constant 0 : i32
    %cond3A_48 = arith.cmpi ne, %convert_element_type3A, %cond3A : i32
    scf.if %cond3A_48 {
      %mul3A_92 = arith.constant 31232 : i32
      %mul3A_93 = arith.muli %arg1, %mul3A_92 : i32
      "tpu.region"() ({
        %run_scoped3A_94 = tpu.sem_alloc : memref<!tpu.dma_semaphore, #tpu.memory_space<semaphore_mem>>
        %dma_start3A = arith.constant 0 : i32
        %dma_start3A_95 = tpu.memref_slice %arg7[%dma_start3A] : memref<31616xf32, #tpu.memory_space<vmem>> -> memref<31232xf32, #tpu.memory_space<vmem>>
        %dma_start3A_96 = tpu.memref_slice %arg8[%mul3A_93] : memref<500224xf32, #tpu.memory_space<vmem_shared>> -> memref<31232xf32, #tpu.memory_space<vmem_shared>>
        %dma_start3A_97 = tpu.memref_slice %arg8[%mul3A_93] : memref<500224xf32, #tpu.memory_space<vmem_shared>> -> memref<31232xf32, #tpu.memory_space<vmem_shared>>
        %dma_start3A_98 = arith.constant 0 : i32
        %dma_start3A_99 = tpu.memref_slice %arg7[%dma_start3A_98] : memref<31616xf32, #tpu.memory_space<vmem>> -> memref<31232xf32, #tpu.memory_space<vmem>>
        tpu.enqueue_dma source(%dma_start3A_99 : memref<31232xf32, #tpu.memory_space<vmem>>) target(%dma_start3A_97 : memref<31232xf32, #tpu.memory_space<vmem_shared>>) target_semaphore(%run_scoped3A_94 : memref<!tpu.dma_semaphore, #tpu.memory_space<semaphore_mem>>)
        %dma_wait3A = arith.constant 0 : i32
        %dma_wait3A_100 = tpu.memref_slice %arg7[%dma_wait3A] : memref<31616xf32, #tpu.memory_space<vmem>> -> memref<31232xf32, #tpu.memory_space<vmem>>
        %dma_wait3A_101 = tpu.memref_slice %arg8[%mul3A_93] : memref<500224xf32, #tpu.memory_space<vmem_shared>> -> memref<31232xf32, #tpu.memory_space<vmem_shared>>
        %dma_wait3A_102 = tpu.memref_slice %arg8[%mul3A_93] : memref<500224xf32, #tpu.memory_space<vmem_shared>> -> memref<31232xf32, #tpu.memory_space<vmem_shared>>
        %dma_wait3A_103 = arith.constant 0 : i32
        %dma_wait3A_104 = tpu.memref_slice %arg7[%dma_wait3A_103] : memref<31616xf32, #tpu.memory_space<vmem>> -> memref<31232xf32, #tpu.memory_space<vmem>>
        tpu.wait_dma2 semaphore(%run_scoped3A_94 : memref<!tpu.dma_semaphore, #tpu.memory_space<semaphore_mem>>) src(%dma_wait3A_104 : memref<31232xf32, #tpu.memory_space<vmem>>) dst(%dma_wait3A_102 : memref<31232xf32, #tpu.memory_space<vmem_shared>>)
        tpu.yield
      }) : () -> ()
    } else {
    }
    %eq3A = arith.constant 15 : i32
    %eq3A_49 = arith.cmpi eq, %arg1, %eq3A : i32
    %eq3A_50 = arith.constant 0 : i32
    %eq3A_51 = arith.cmpi eq, %arg0, %eq3A_50 : i32
    %and3A = arith.andi %eq3A_49, %eq3A_51 : i1
    %convert_element_type3A_52 = arith.extui %and3A : i1 to i32
    %cond3A_53 = arith.constant 0 : i32
    %cond3A_54 = arith.cmpi ne, %convert_element_type3A_52, %cond3A_53 : i32
    scf.if %cond3A_54 {
      "tpu.region"() ({
        %run_scoped3A_92 = tpu.sem_alloc : memref<!tpu.dma_semaphore, #tpu.memory_space<semaphore_mem>>
        %dma_start3A = arith.constant 0 : i32
        %dma_start3A_93 = tpu.memref_slice %arg7[%dma_start3A] : memref<31616xf32, #tpu.memory_space<vmem>> -> memref<31616xf32, #tpu.memory_space<vmem>>
        %dma_start3A_94 = arith.constant 468480 : i32
        %dma_start3A_95 = tpu.memref_slice %arg8[%dma_start3A_94] : memref<500224xf32, #tpu.memory_space<vmem_shared>> -> memref<31616xf32, #tpu.memory_space<vmem_shared>>
        %dma_start3A_96 = arith.constant 468480 : i32
        %dma_start3A_97 = tpu.memref_slice %arg8[%dma_start3A_96] : memref<500224xf32, #tpu.memory_space<vmem_shared>> -> memref<31616xf32, #tpu.memory_space<vmem_shared>>
        %dma_start3A_98 = arith.constant 0 : i32
        %dma_start3A_99 = tpu.memref_slice %arg7[%dma_start3A_98] : memref<31616xf32, #tpu.memory_space<vmem>> -> memref<31616xf32, #tpu.memory_space<vmem>>
        tpu.enqueue_dma source(%dma_start3A_99 : memref<31616xf32, #tpu.memory_space<vmem>>) target(%dma_start3A_97 : memref<31616xf32, #tpu.memory_space<vmem_shared>>) target_semaphore(%run_scoped3A_92 : memref<!tpu.dma_semaphore, #tpu.memory_space<semaphore_mem>>)
        %dma_wait3A = arith.constant 0 : i32
        %dma_wait3A_100 = tpu.memref_slice %arg7[%dma_wait3A] : memref<31616xf32, #tpu.memory_space<vmem>> -> memref<31616xf32, #tpu.memory_space<vmem>>
        %dma_wait3A_101 = arith.constant 468480 : i32
        %dma_wait3A_102 = tpu.memref_slice %arg8[%dma_wait3A_101] : memref<500224xf32, #tpu.memory_space<vmem_shared>> -> memref<31616xf32, #tpu.memory_space<vmem_shared>>
        %dma_wait3A_103 = arith.constant 468480 : i32
        %dma_wait3A_104 = tpu.memref_slice %arg8[%dma_wait3A_103] : memref<500224xf32, #tpu.memory_space<vmem_shared>> -> memref<31616xf32, #tpu.memory_space<vmem_shared>>
        %dma_wait3A_105 = arith.constant 0 : i32
        %dma_wait3A_106 = tpu.memref_slice %arg7[%dma_wait3A_105] : memref<31616xf32, #tpu.memory_space<vmem>> -> memref<31616xf32, #tpu.memory_space<vmem>>
        tpu.wait_dma2 semaphore(%run_scoped3A_92 : memref<!tpu.dma_semaphore, #tpu.memory_space<semaphore_mem>>) src(%dma_wait3A_106 : memref<31616xf32, #tpu.memory_space<vmem>>) dst(%dma_wait3A_104 : memref<31616xf32, #tpu.memory_space<vmem_shared>>)
        tpu.yield
      }) : () -> ()
    } else {
    }
    %eq3A_55 = arith.constant 15 : i32
    %eq3A_56 = arith.cmpi eq, %arg1, %eq3A_55 : i32
    %eq3A_57 = arith.constant 1 : i32
    %eq3A_58 = arith.cmpi eq, %arg0, %eq3A_57 : i32
    %and3A_59 = arith.andi %eq3A_56, %eq3A_58 : i1
    %convert_element_type3A_60 = arith.extui %and3A_59 : i1 to i32
    %cond3A_61 = arith.constant 0 : i32
    %cond3A_62 = arith.cmpi ne, %convert_element_type3A_60, %cond3A_61 : i32
    scf.if %cond3A_62 {
      "tpu.region"() ({
        %run_scoped3A_92 = tpu.sem_alloc : memref<!tpu.dma_semaphore, #tpu.memory_space<semaphore_mem>>
        %dma_start3A = arith.constant 0 : i32
        %dma_start3A_93 = tpu.memref_slice %arg7[%dma_start3A] : memref<31616xf32, #tpu.memory_space<vmem>> -> memref<31488xf32, #tpu.memory_space<vmem>>
        %dma_start3A_94 = arith.constant 468480 : i32
        %dma_start3A_95 = tpu.memref_slice %arg8[%dma_start3A_94] : memref<500224xf32, #tpu.memory_space<vmem_shared>> -> memref<31488xf32, #tpu.memory_space<vmem_shared>>
        %dma_start3A_96 = arith.constant 468480 : i32
        %dma_start3A_97 = tpu.memref_slice %arg8[%dma_start3A_96] : memref<500224xf32, #tpu.memory_space<vmem_shared>> -> memref<31488xf32, #tpu.memory_space<vmem_shared>>
        %dma_start3A_98 = arith.constant 0 : i32
        %dma_start3A_99 = tpu.memref_slice %arg7[%dma_start3A_98] : memref<31616xf32, #tpu.memory_space<vmem>> -> memref<31488xf32, #tpu.memory_space<vmem>>
        tpu.enqueue_dma source(%dma_start3A_99 : memref<31488xf32, #tpu.memory_space<vmem>>) target(%dma_start3A_97 : memref<31488xf32, #tpu.memory_space<vmem_shared>>) target_semaphore(%run_scoped3A_92 : memref<!tpu.dma_semaphore, #tpu.memory_space<semaphore_mem>>)
        %dma_wait3A = arith.constant 0 : i32
        %dma_wait3A_100 = tpu.memref_slice %arg7[%dma_wait3A] : memref<31616xf32, #tpu.memory_space<vmem>> -> memref<31488xf32, #tpu.memory_space<vmem>>
        %dma_wait3A_101 = arith.constant 468480 : i32
        %dma_wait3A_102 = tpu.memref_slice %arg8[%dma_wait3A_101] : memref<500224xf32, #tpu.memory_space<vmem_shared>> -> memref<31488xf32, #tpu.memory_space<vmem_shared>>
        %dma_wait3A_103 = arith.constant 468480 : i32
        %dma_wait3A_104 = tpu.memref_slice %arg8[%dma_wait3A_103] : memref<500224xf32, #tpu.memory_space<vmem_shared>> -> memref<31488xf32, #tpu.memory_space<vmem_shared>>
        %dma_wait3A_105 = arith.constant 0 : i32
        %dma_wait3A_106 = tpu.memref_slice %arg7[%dma_wait3A_105] : memref<31616xf32, #tpu.memory_space<vmem>> -> memref<31488xf32, #tpu.memory_space<vmem>>
        tpu.wait_dma2 semaphore(%run_scoped3A_92 : memref<!tpu.dma_semaphore, #tpu.memory_space<semaphore_mem>>) src(%dma_wait3A_106 : memref<31488xf32, #tpu.memory_space<vmem>>) dst(%dma_wait3A_104 : memref<31488xf32, #tpu.memory_space<vmem_shared>>)
        tpu.yield
      }) : () -> ()
    } else {
    }
    %barrier3A = arith.constant 0 : index
    tpu.barrier barrier_id(%barrier3A)
    %run_scoped3A = arith.constant 0 : i32
    "tpu.region"() ({
      %run_scoped3A_92 = tpu.sem_alloc : memref<!tpu.dma_semaphore, #tpu.memory_space<semaphore_mem>>
      %dma_start3A = arith.constant 0 : i32
      %dma_start3A_93 = tpu.memref_slice %arg5[%run_scoped3A, %dma_start3A] : memref<8x128xi32, #tpu.memory_space<vmem>> -> memref<1x128xi32, #tpu.memory_space<vmem>>
      %dma_start3A_94 = tpu.memref_squeeze %dma_start3A_93 : memref<1x128xi32, #tpu.memory_space<vmem>> -> memref<128xi32, #tpu.memory_space<vmem>>
      %dma_start3A_95 = arith.constant 0 : i32
      %dma_start3A_96 = tpu.memref_slice %arg8[%dma_start3A_95] : memref<500224xf32, #tpu.memory_space<vmem_shared>> -> memref<500224xf32, #tpu.memory_space<vmem_shared>>
      tpu.enqueue_indirect_dma source(%arg6 : memref<128xf32, #tpu.memory_space<vmem>>) target(%dma_start3A_96 : memref<500224xf32, #tpu.memory_space<vmem_shared>>) offsets(%dma_start3A_94 : memref<128xi32, #tpu.memory_space<vmem>>) semaphore(%run_scoped3A_92 : memref<!tpu.dma_semaphore, #tpu.memory_space<semaphore_mem>>) {add = true}
      %dma_wait3A = arith.constant 0 : i32
      %dma_wait3A_97 = tpu.memref_slice %arg5[%run_scoped3A, %dma_wait3A] : memref<8x128xi32, #tpu.memory_space<vmem>> -> memref<1x128xi32, #tpu.memory_space<vmem>>
      %dma_wait3A_98 = tpu.memref_squeeze %dma_wait3A_97 : memref<1x128xi32, #tpu.memory_space<vmem>> -> memref<128xi32, #tpu.memory_space<vmem>>
      %dma_wait3A_99 = arith.constant 0 : i32
      %dma_wait3A_100 = tpu.memref_slice %arg8[%dma_wait3A_99] : memref<500224xf32, #tpu.memory_space<vmem_shared>> -> memref<500224xf32, #tpu.memory_space<vmem_shared>>
      tpu.wait_indirect_dma semaphore(%run_scoped3A_92 : memref<!tpu.dma_semaphore, #tpu.memory_space<semaphore_mem>>) src(%arg6 : memref<128xf32, #tpu.memory_space<vmem>>) dst(%dma_wait3A_100 : memref<500224xf32, #tpu.memory_space<vmem_shared>>)
      tpu.yield
    }) : () -> ()
    %run_scoped3A_63 = arith.constant 1 : i32
    "tpu.region"() ({
      %run_scoped3A_92 = tpu.sem_alloc : memref<!tpu.dma_semaphore, #tpu.memory_space<semaphore_mem>>
      %dma_start3A = arith.constant 0 : i32
      %dma_start3A_93 = tpu.memref_slice %arg5[%run_scoped3A_63, %dma_start3A] : memref<8x128xi32, #tpu.memory_space<vmem>> -> memref<1x128xi32, #tpu.memory_space<vmem>>
      %dma_start3A_94 = tpu.memref_squeeze %dma_start3A_93 : memref<1x128xi32, #tpu.memory_space<vmem>> -> memref<128xi32, #tpu.memory_space<vmem>>
      %dma_start3A_95 = arith.constant 0 : i32
      %dma_start3A_96 = tpu.memref_slice %arg8[%dma_start3A_95] : memref<500224xf32, #tpu.memory_space<vmem_shared>> -> memref<500224xf32, #tpu.memory_space<vmem_shared>>
      tpu.enqueue_indirect_dma source(%arg6 : memref<128xf32, #tpu.memory_space<vmem>>) target(%dma_start3A_96 : memref<500224xf32, #tpu.memory_space<vmem_shared>>) offsets(%dma_start3A_94 : memref<128xi32, #tpu.memory_space<vmem>>) semaphore(%run_scoped3A_92 : memref<!tpu.dma_semaphore, #tpu.memory_space<semaphore_mem>>) {add = true}
      %dma_wait3A = arith.constant 0 : i32
      %dma_wait3A_97 = tpu.memref_slice %arg5[%run_scoped3A_63, %dma_wait3A] : memref<8x128xi32, #tpu.memory_space<vmem>> -> memref<1x128xi32, #tpu.memory_space<vmem>>
      %dma_wait3A_98 = tpu.memref_squeeze %dma_wait3A_97 : memref<1x128xi32, #tpu.memory_space<vmem>> -> memref<128xi32, #tpu.memory_space<vmem>>
      %dma_wait3A_99 = arith.constant 0 : i32
      %dma_wait3A_100 = tpu.memref_slice %arg8[%dma_wait3A_99] : memref<500224xf32, #tpu.memory_space<vmem_shared>> -> memref<500224xf32, #tpu.memory_space<vmem_shared>>
      tpu.wait_indirect_dma semaphore(%run_scoped3A_92 : memref<!tpu.dma_semaphore, #tpu.memory_space<semaphore_mem>>) src(%arg6 : memref<128xf32, #tpu.memory_space<vmem>>) dst(%dma_wait3A_100 : memref<500224xf32, #tpu.memory_space<vmem_shared>>)
      tpu.yield
    }) : () -> ()
    %run_scoped3A_64 = arith.constant 2 : i32
    "tpu.region"() ({
      %run_scoped3A_92 = tpu.sem_alloc : memref<!tpu.dma_semaphore, #tpu.memory_space<semaphore_mem>>
      %dma_start3A = arith.constant 0 : i32
      %dma_start3A_93 = tpu.memref_slice %arg5[%run_scoped3A_64, %dma_start3A] : memref<8x128xi32, #tpu.memory_space<vmem>> -> memref<1x128xi32, #tpu.memory_space<vmem>>
      %dma_start3A_94 = tpu.memref_squeeze %dma_start3A_93 : memref<1x128xi32, #tpu.memory_space<vmem>> -> memref<128xi32, #tpu.memory_space<vmem>>
      %dma_start3A_95 = arith.constant 0 : i32
      %dma_start3A_96 = tpu.memref_slice %arg8[%dma_start3A_95] : memref<500224xf32, #tpu.memory_space<vmem_shared>> -> memref<500224xf32, #tpu.memory_space<vmem_shared>>
      tpu.enqueue_indirect_dma source(%arg6 : memref<128xf32, #tpu.memory_space<vmem>>) target(%dma_start3A_96 : memref<500224xf32, #tpu.memory_space<vmem_shared>>) offsets(%dma_start3A_94 : memref<128xi32, #tpu.memory_space<vmem>>) semaphore(%run_scoped3A_92 : memref<!tpu.dma_semaphore, #tpu.memory_space<semaphore_mem>>) {add = true}
      %dma_wait3A = arith.constant 0 : i32
      %dma_wait3A_97 = tpu.memref_slice %arg5[%run_scoped3A_64, %dma_wait3A] : memref<8x128xi32, #tpu.memory_space<vmem>> -> memref<1x128xi32, #tpu.memory_space<vmem>>
      %dma_wait3A_98 = tpu.memref_squeeze %dma_wait3A_97 : memref<1x128xi32, #tpu.memory_space<vmem>> -> memref<128xi32, #tpu.memory_space<vmem>>
      %dma_wait3A_99 = arith.constant 0 : i32
      %dma_wait3A_100 = tpu.memref_slice %arg8[%dma_wait3A_99] : memref<500224xf32, #tpu.memory_space<vmem_shared>> -> memref<500224xf32, #tpu.memory_space<vmem_shared>>
      tpu.wait_indirect_dma semaphore(%run_scoped3A_92 : memref<!tpu.dma_semaphore, #tpu.memory_space<semaphore_mem>>) src(%arg6 : memref<128xf32, #tpu.memory_space<vmem>>) dst(%dma_wait3A_100 : memref<500224xf32, #tpu.memory_space<vmem_shared>>)
      tpu.yield
    }) : () -> ()
    %run_scoped3A_65 = arith.constant 3 : i32
    "tpu.region"() ({
      %run_scoped3A_92 = tpu.sem_alloc : memref<!tpu.dma_semaphore, #tpu.memory_space<semaphore_mem>>
      %dma_start3A = arith.constant 0 : i32
      %dma_start3A_93 = tpu.memref_slice %arg5[%run_scoped3A_65, %dma_start3A] : memref<8x128xi32, #tpu.memory_space<vmem>> -> memref<1x128xi32, #tpu.memory_space<vmem>>
      %dma_start3A_94 = tpu.memref_squeeze %dma_start3A_93 : memref<1x128xi32, #tpu.memory_space<vmem>> -> memref<128xi32, #tpu.memory_space<vmem>>
      %dma_start3A_95 = arith.constant 0 : i32
      %dma_start3A_96 = tpu.memref_slice %arg8[%dma_start3A_95] : memref<500224xf32, #tpu.memory_space<vmem_shared>> -> memref<500224xf32, #tpu.memory_space<vmem_shared>>
      tpu.enqueue_indirect_dma source(%arg6 : memref<128xf32, #tpu.memory_space<vmem>>) target(%dma_start3A_96 : memref<500224xf32, #tpu.memory_space<vmem_shared>>) offsets(%dma_start3A_94 : memref<128xi32, #tpu.memory_space<vmem>>) semaphore(%run_scoped3A_92 : memref<!tpu.dma_semaphore, #tpu.memory_space<semaphore_mem>>) {add = true}
      %dma_wait3A = arith.constant 0 : i32
      %dma_wait3A_97 = tpu.memref_slice %arg5[%run_scoped3A_65, %dma_wait3A] : memref<8x128xi32, #tpu.memory_space<vmem>> -> memref<1x128xi32, #tpu.memory_space<vmem>>
      %dma_wait3A_98 = tpu.memref_squeeze %dma_wait3A_97 : memref<1x128xi32, #tpu.memory_space<vmem>> -> memref<128xi32, #tpu.memory_space<vmem>>
      %dma_wait3A_99 = arith.constant 0 : i32
      %dma_wait3A_100 = tpu.memref_slice %arg8[%dma_wait3A_99] : memref<500224xf32, #tpu.memory_space<vmem_shared>> -> memref<500224xf32, #tpu.memory_space<vmem_shared>>
      tpu.wait_indirect_dma semaphore(%run_scoped3A_92 : memref<!tpu.dma_semaphore, #tpu.memory_space<semaphore_mem>>) src(%arg6 : memref<128xf32, #tpu.memory_space<vmem>>) dst(%dma_wait3A_100 : memref<500224xf32, #tpu.memory_space<vmem_shared>>)
      tpu.yield
    }) : () -> ()
    %run_scoped3A_66 = arith.constant 4 : i32
    "tpu.region"() ({
      %run_scoped3A_92 = tpu.sem_alloc : memref<!tpu.dma_semaphore, #tpu.memory_space<semaphore_mem>>
      %dma_start3A = arith.constant 0 : i32
      %dma_start3A_93 = tpu.memref_slice %arg5[%run_scoped3A_66, %dma_start3A] : memref<8x128xi32, #tpu.memory_space<vmem>> -> memref<1x128xi32, #tpu.memory_space<vmem>>
      %dma_start3A_94 = tpu.memref_squeeze %dma_start3A_93 : memref<1x128xi32, #tpu.memory_space<vmem>> -> memref<128xi32, #tpu.memory_space<vmem>>
      %dma_start3A_95 = arith.constant 0 : i32
      %dma_start3A_96 = tpu.memref_slice %arg8[%dma_start3A_95] : memref<500224xf32, #tpu.memory_space<vmem_shared>> -> memref<500224xf32, #tpu.memory_space<vmem_shared>>
      tpu.enqueue_indirect_dma source(%arg6 : memref<128xf32, #tpu.memory_space<vmem>>) target(%dma_start3A_96 : memref<500224xf32, #tpu.memory_space<vmem_shared>>) offsets(%dma_start3A_94 : memref<128xi32, #tpu.memory_space<vmem>>) semaphore(%run_scoped3A_92 : memref<!tpu.dma_semaphore, #tpu.memory_space<semaphore_mem>>) {add = true}
      %dma_wait3A = arith.constant 0 : i32
      %dma_wait3A_97 = tpu.memref_slice %arg5[%run_scoped3A_66, %dma_wait3A] : memref<8x128xi32, #tpu.memory_space<vmem>> -> memref<1x128xi32, #tpu.memory_space<vmem>>
      %dma_wait3A_98 = tpu.memref_squeeze %dma_wait3A_97 : memref<1x128xi32, #tpu.memory_space<vmem>> -> memref<128xi32, #tpu.memory_space<vmem>>
      %dma_wait3A_99 = arith.constant 0 : i32
      %dma_wait3A_100 = tpu.memref_slice %arg8[%dma_wait3A_99] : memref<500224xf32, #tpu.memory_space<vmem_shared>> -> memref<500224xf32, #tpu.memory_space<vmem_shared>>
      tpu.wait_indirect_dma semaphore(%run_scoped3A_92 : memref<!tpu.dma_semaphore, #tpu.memory_space<semaphore_mem>>) src(%arg6 : memref<128xf32, #tpu.memory_space<vmem>>) dst(%dma_wait3A_100 : memref<500224xf32, #tpu.memory_space<vmem_shared>>)
      tpu.yield
    }) : () -> ()
    %run_scoped3A_67 = arith.constant 5 : i32
    "tpu.region"() ({
      %run_scoped3A_92 = tpu.sem_alloc : memref<!tpu.dma_semaphore, #tpu.memory_space<semaphore_mem>>
      %dma_start3A = arith.constant 0 : i32
      %dma_start3A_93 = tpu.memref_slice %arg5[%run_scoped3A_67, %dma_start3A] : memref<8x128xi32, #tpu.memory_space<vmem>> -> memref<1x128xi32, #tpu.memory_space<vmem>>
      %dma_start3A_94 = tpu.memref_squeeze %dma_start3A_93 : memref<1x128xi32, #tpu.memory_space<vmem>> -> memref<128xi32, #tpu.memory_space<vmem>>
      %dma_start3A_95 = arith.constant 0 : i32
      %dma_start3A_96 = tpu.memref_slice %arg8[%dma_start3A_95] : memref<500224xf32, #tpu.memory_space<vmem_shared>> -> memref<500224xf32, #tpu.memory_space<vmem_shared>>
      tpu.enqueue_indirect_dma source(%arg6 : memref<128xf32, #tpu.memory_space<vmem>>) target(%dma_start3A_96 : memref<500224xf32, #tpu.memory_space<vmem_shared>>) offsets(%dma_start3A_94 : memref<128xi32, #tpu.memory_space<vmem>>) semaphore(%run_scoped3A_92 : memref<!tpu.dma_semaphore, #tpu.memory_space<semaphore_mem>>) {add = true}
      %dma_wait3A = arith.constant 0 : i32
      %dma_wait3A_97 = tpu.memref_slice %arg5[%run_scoped3A_67, %dma_wait3A] : memref<8x128xi32, #tpu.memory_space<vmem>> -> memref<1x128xi32, #tpu.memory_space<vmem>>
      %dma_wait3A_98 = tpu.memref_squeeze %dma_wait3A_97 : memref<1x128xi32, #tpu.memory_space<vmem>> -> memref<128xi32, #tpu.memory_space<vmem>>
      %dma_wait3A_99 = arith.constant 0 : i32
      %dma_wait3A_100 = tpu.memref_slice %arg8[%dma_wait3A_99] : memref<500224xf32, #tpu.memory_space<vmem_shared>> -> memref<500224xf32, #tpu.memory_space<vmem_shared>>
      tpu.wait_indirect_dma semaphore(%run_scoped3A_92 : memref<!tpu.dma_semaphore, #tpu.memory_space<semaphore_mem>>) src(%arg6 : memref<128xf32, #tpu.memory_space<vmem>>) dst(%dma_wait3A_100 : memref<500224xf32, #tpu.memory_space<vmem_shared>>)
      tpu.yield
    }) : () -> ()
    %run_scoped3A_68 = arith.constant 6 : i32
    "tpu.region"() ({
      %run_scoped3A_92 = tpu.sem_alloc : memref<!tpu.dma_semaphore, #tpu.memory_space<semaphore_mem>>
      %dma_start3A = arith.constant 0 : i32
      %dma_start3A_93 = tpu.memref_slice %arg5[%run_scoped3A_68, %dma_start3A] : memref<8x128xi32, #tpu.memory_space<vmem>> -> memref<1x128xi32, #tpu.memory_space<vmem>>
      %dma_start3A_94 = tpu.memref_squeeze %dma_start3A_93 : memref<1x128xi32, #tpu.memory_space<vmem>> -> memref<128xi32, #tpu.memory_space<vmem>>
      %dma_start3A_95 = arith.constant 0 : i32
      %dma_start3A_96 = tpu.memref_slice %arg8[%dma_start3A_95] : memref<500224xf32, #tpu.memory_space<vmem_shared>> -> memref<500224xf32, #tpu.memory_space<vmem_shared>>
      tpu.enqueue_indirect_dma source(%arg6 : memref<128xf32, #tpu.memory_space<vmem>>) target(%dma_start3A_96 : memref<500224xf32, #tpu.memory_space<vmem_shared>>) offsets(%dma_start3A_94 : memref<128xi32, #tpu.memory_space<vmem>>) semaphore(%run_scoped3A_92 : memref<!tpu.dma_semaphore, #tpu.memory_space<semaphore_mem>>) {add = true}
      %dma_wait3A = arith.constant 0 : i32
      %dma_wait3A_97 = tpu.memref_slice %arg5[%run_scoped3A_68, %dma_wait3A] : memref<8x128xi32, #tpu.memory_space<vmem>> -> memref<1x128xi32, #tpu.memory_space<vmem>>
      %dma_wait3A_98 = tpu.memref_squeeze %dma_wait3A_97 : memref<1x128xi32, #tpu.memory_space<vmem>> -> memref<128xi32, #tpu.memory_space<vmem>>
      %dma_wait3A_99 = arith.constant 0 : i32
      %dma_wait3A_100 = tpu.memref_slice %arg8[%dma_wait3A_99] : memref<500224xf32, #tpu.memory_space<vmem_shared>> -> memref<500224xf32, #tpu.memory_space<vmem_shared>>
      tpu.wait_indirect_dma semaphore(%run_scoped3A_92 : memref<!tpu.dma_semaphore, #tpu.memory_space<semaphore_mem>>) src(%arg6 : memref<128xf32, #tpu.memory_space<vmem>>) dst(%dma_wait3A_100 : memref<500224xf32, #tpu.memory_space<vmem_shared>>)
      tpu.yield
    }) : () -> ()
    %run_scoped3A_69 = arith.constant 7 : i32
    "tpu.region"() ({
      %run_scoped3A_92 = tpu.sem_alloc : memref<!tpu.dma_semaphore, #tpu.memory_space<semaphore_mem>>
      %dma_start3A = arith.constant 0 : i32
      %dma_start3A_93 = tpu.memref_slice %arg5[%run_scoped3A_69, %dma_start3A] : memref<8x128xi32, #tpu.memory_space<vmem>> -> memref<1x128xi32, #tpu.memory_space<vmem>>
      %dma_start3A_94 = tpu.memref_squeeze %dma_start3A_93 : memref<1x128xi32, #tpu.memory_space<vmem>> -> memref<128xi32, #tpu.memory_space<vmem>>
      %dma_start3A_95 = arith.constant 0 : i32
      %dma_start3A_96 = tpu.memref_slice %arg8[%dma_start3A_95] : memref<500224xf32, #tpu.memory_space<vmem_shared>> -> memref<500224xf32, #tpu.memory_space<vmem_shared>>
      tpu.enqueue_indirect_dma source(%arg6 : memref<128xf32, #tpu.memory_space<vmem>>) target(%dma_start3A_96 : memref<500224xf32, #tpu.memory_space<vmem_shared>>) offsets(%dma_start3A_94 : memref<128xi32, #tpu.memory_space<vmem>>) semaphore(%run_scoped3A_92 : memref<!tpu.dma_semaphore, #tpu.memory_space<semaphore_mem>>) {add = true}
      %dma_wait3A = arith.constant 0 : i32
      %dma_wait3A_97 = tpu.memref_slice %arg5[%run_scoped3A_69, %dma_wait3A] : memref<8x128xi32, #tpu.memory_space<vmem>> -> memref<1x128xi32, #tpu.memory_space<vmem>>
      %dma_wait3A_98 = tpu.memref_squeeze %dma_wait3A_97 : memref<1x128xi32, #tpu.memory_space<vmem>> -> memref<128xi32, #tpu.memory_space<vmem>>
      %dma_wait3A_99 = arith.constant 0 : i32
      %dma_wait3A_100 = tpu.memref_slice %arg8[%dma_wait3A_99] : memref<500224xf32, #tpu.memory_space<vmem_shared>> -> memref<500224xf32, #tpu.memory_space<vmem_shared>>
      tpu.wait_indirect_dma semaphore(%run_scoped3A_92 : memref<!tpu.dma_semaphore, #tpu.memory_space<semaphore_mem>>) src(%arg6 : memref<128xf32, #tpu.memory_space<vmem>>) dst(%dma_wait3A_100 : memref<500224xf32, #tpu.memory_space<vmem_shared>>)
      tpu.yield
    }) : () -> ()
    %barrier3A_70 = arith.constant 0 : index
    tpu.barrier barrier_id(%barrier3A_70)
    %lt3A_71 = arith.constant 15 : i32
    %lt3A_72 = arith.cmpi slt, %arg1, %lt3A_71 : i32
    %convert_element_type3A_73 = arith.extui %lt3A_72 : i1 to i32
    %cond3A_74 = arith.constant 0 : i32
    %cond3A_75 = arith.cmpi ne, %convert_element_type3A_73, %cond3A_74 : i32
    scf.if %cond3A_75 {
      %mul3A_92 = arith.constant 31232 : i32
      %mul3A_93 = arith.muli %arg1, %mul3A_92 : i32
      "tpu.region"() ({
        %run_scoped3A_97 = tpu.sem_alloc : memref<!tpu.dma_semaphore, #tpu.memory_space<semaphore_mem>>
        %dma_start3A = arith.constant 0 : i32
        %dma_start3A_98 = tpu.memref_slice %arg7[%dma_start3A] : memref<31616xf32, #tpu.memory_space<vmem>> -> memref<31232xf32, #tpu.memory_space<vmem>>
        %dma_start3A_99 = tpu.memref_slice %arg8[%mul3A_93] : memref<500224xf32, #tpu.memory_space<vmem_shared>> -> memref<31232xf32, #tpu.memory_space<vmem_shared>>
        %dma_start3A_100 = arith.constant 0 : i32
        %dma_start3A_101 = tpu.memref_slice %arg7[%dma_start3A_100] : memref<31616xf32, #tpu.memory_space<vmem>> -> memref<31232xf32, #tpu.memory_space<vmem>>
        %dma_start3A_102 = tpu.memref_slice %arg8[%mul3A_93] : memref<500224xf32, #tpu.memory_space<vmem_shared>> -> memref<31232xf32, #tpu.memory_space<vmem_shared>>
        tpu.enqueue_dma source(%dma_start3A_102 : memref<31232xf32, #tpu.memory_space<vmem_shared>>) target(%dma_start3A_101 : memref<31232xf32, #tpu.memory_space<vmem>>) target_semaphore(%run_scoped3A_97 : memref<!tpu.dma_semaphore, #tpu.memory_space<semaphore_mem>>)
        %dma_wait3A = arith.constant 0 : i32
        %dma_wait3A_103 = tpu.memref_slice %arg7[%dma_wait3A] : memref<31616xf32, #tpu.memory_space<vmem>> -> memref<31232xf32, #tpu.memory_space<vmem>>
        %dma_wait3A_104 = tpu.memref_slice %arg8[%mul3A_93] : memref<500224xf32, #tpu.memory_space<vmem_shared>> -> memref<31232xf32, #tpu.memory_space<vmem_shared>>
        %dma_wait3A_105 = arith.constant 0 : i32
        %dma_wait3A_106 = tpu.memref_slice %arg7[%dma_wait3A_105] : memref<31616xf32, #tpu.memory_space<vmem>> -> memref<31232xf32, #tpu.memory_space<vmem>>
        %dma_wait3A_107 = tpu.memref_slice %arg8[%mul3A_93] : memref<500224xf32, #tpu.memory_space<vmem_shared>> -> memref<31232xf32, #tpu.memory_space<vmem_shared>>
        tpu.wait_dma2 semaphore(%run_scoped3A_97 : memref<!tpu.dma_semaphore, #tpu.memory_space<semaphore_mem>>) src(%dma_wait3A_107 : memref<31232xf32, #tpu.memory_space<vmem_shared>>) dst(%dma_wait3A_106 : memref<31232xf32, #tpu.memory_space<vmem>>)
        tpu.yield
      }) : () -> ()
      %mul3A_94 = arith.constant 31232 : i32
      %mul3A_95 = arith.muli %arg1, %mul3A_94 : i32
      %add3A = arith.addi %mul3A_0, %mul3A_95 : i32
      %run_scoped3A_96 = arith.constant 0 : i32
      "tpu.region"() ({
        %run_scoped3A_97 = tpu.sem_alloc : memref<!tpu.dma_semaphore, #tpu.memory_space<semaphore_mem>>
        %dma_start3A = arith.constant 0 : i32
        %dma_start3A_98 = tpu.memref_slice %arg7[%dma_start3A] : memref<31616xf32, #tpu.memory_space<vmem>> -> memref<31232xf32, #tpu.memory_space<vmem>>
        %dma_start3A_99 = tpu.memref_slice %arg4[%run_scoped3A_96, %add3A] : memref<1x1000064xf32, #tpu.memory_space<hbm>> -> memref<1x31232xf32, #tpu.memory_space<hbm>>
        %dma_start3A_100 = tpu.memref_squeeze %dma_start3A_99 : memref<1x31232xf32, #tpu.memory_space<hbm>> -> memref<31232xf32, #tpu.memory_space<hbm>>
        %dma_start3A_101 = tpu.memref_slice %arg4[%run_scoped3A_96, %add3A] : memref<1x1000064xf32, #tpu.memory_space<hbm>> -> memref<1x31232xf32, #tpu.memory_space<hbm>>
        %dma_start3A_102 = tpu.memref_squeeze %dma_start3A_101 : memref<1x31232xf32, #tpu.memory_space<hbm>> -> memref<31232xf32, #tpu.memory_space<hbm>>
        %dma_start3A_103 = arith.constant 0 : i32
        %dma_start3A_104 = tpu.memref_slice %arg7[%dma_start3A_103] : memref<31616xf32, #tpu.memory_space<vmem>> -> memref<31232xf32, #tpu.memory_space<vmem>>
        tpu.enqueue_dma source(%dma_start3A_104 : memref<31232xf32, #tpu.memory_space<vmem>>) target(%dma_start3A_102 : memref<31232xf32, #tpu.memory_space<hbm>>) target_semaphore(%run_scoped3A_97 : memref<!tpu.dma_semaphore, #tpu.memory_space<semaphore_mem>>)
        %dma_wait3A = arith.constant 0 : i32
        %dma_wait3A_105 = tpu.memref_slice %arg7[%dma_wait3A] : memref<31616xf32, #tpu.memory_space<vmem>> -> memref<31232xf32, #tpu.memory_space<vmem>>
        %dma_wait3A_106 = tpu.memref_slice %arg4[%run_scoped3A_96, %add3A] : memref<1x1000064xf32, #tpu.memory_space<hbm>> -> memref<1x31232xf32, #tpu.memory_space<hbm>>
        %dma_wait3A_107 = tpu.memref_squeeze %dma_wait3A_106 : memref<1x31232xf32, #tpu.memory_space<hbm>> -> memref<31232xf32, #tpu.memory_space<hbm>>
        %dma_wait3A_108 = tpu.memref_slice %arg4[%run_scoped3A_96, %add3A] : memref<1x1000064xf32, #tpu.memory_space<hbm>> -> memref<1x31232xf32, #tpu.memory_space<hbm>>
        %dma_wait3A_109 = tpu.memref_squeeze %dma_wait3A_108 : memref<1x31232xf32, #tpu.memory_space<hbm>> -> memref<31232xf32, #tpu.memory_space<hbm>>
        %dma_wait3A_110 = arith.constant 0 : i32
        %dma_wait3A_111 = tpu.memref_slice %arg7[%dma_wait3A_110] : memref<31616xf32, #tpu.memory_space<vmem>> -> memref<31232xf32, #tpu.memory_space<vmem>>
        tpu.wait_dma2 semaphore(%run_scoped3A_97 : memref<!tpu.dma_semaphore, #tpu.memory_space<semaphore_mem>>) src(%dma_wait3A_111 : memref<31232xf32, #tpu.memory_space<vmem>>) dst(%dma_wait3A_109 : memref<31232xf32, #tpu.memory_space<hbm>>)
        tpu.yield
      }) : () -> ()
    } else {
    }
    %eq3A_76 = arith.constant 15 : i32
    %eq3A_77 = arith.cmpi eq, %arg1, %eq3A_76 : i32
    %eq3A_78 = arith.constant 0 : i32
    %eq3A_79 = arith.cmpi eq, %arg0, %eq3A_78 : i32
    %and3A_80 = arith.andi %eq3A_77, %eq3A_79 : i1
    %convert_element_type3A_81 = arith.extui %and3A_80 : i1 to i32
    %cond3A_82 = arith.constant 0 : i32
    %cond3A_83 = arith.cmpi ne, %convert_element_type3A_81, %cond3A_82 : i32
    scf.if %cond3A_83 {
      "tpu.region"() ({
        %run_scoped3A_93 = tpu.sem_alloc : memref<!tpu.dma_semaphore, #tpu.memory_space<semaphore_mem>>
        %dma_start3A = arith.constant 0 : i32
        %dma_start3A_94 = tpu.memref_slice %arg7[%dma_start3A] : memref<31616xf32, #tpu.memory_space<vmem>> -> memref<31616xf32, #tpu.memory_space<vmem>>
        %dma_start3A_95 = arith.constant 468480 : i32
        %dma_start3A_96 = tpu.memref_slice %arg8[%dma_start3A_95] : memref<500224xf32, #tpu.memory_space<vmem_shared>> -> memref<31616xf32, #tpu.memory_space<vmem_shared>>
        %dma_start3A_97 = arith.constant 0 : i32
        %dma_start3A_98 = tpu.memref_slice %arg7[%dma_start3A_97] : memref<31616xf32, #tpu.memory_space<vmem>> -> memref<31616xf32, #tpu.memory_space<vmem>>
        %dma_start3A_99 = arith.constant 468480 : i32
        %dma_start3A_100 = tpu.memref_slice %arg8[%dma_start3A_99] : memref<500224xf32, #tpu.memory_space<vmem_shared>> -> memref<31616xf32, #tpu.memory_space<vmem_shared>>
        tpu.enqueue_dma source(%dma_start3A_100 : memref<31616xf32, #tpu.memory_space<vmem_shared>>) target(%dma_start3A_98 : memref<31616xf32, #tpu.memory_space<vmem>>) target_semaphore(%run_scoped3A_93 : memref<!tpu.dma_semaphore, #tpu.memory_space<semaphore_mem>>)
        %dma_wait3A = arith.constant 0 : i32
        %dma_wait3A_101 = tpu.memref_slice %arg7[%dma_wait3A] : memref<31616xf32, #tpu.memory_space<vmem>> -> memref<31616xf32, #tpu.memory_space<vmem>>
        %dma_wait3A_102 = arith.constant 468480 : i32
        %dma_wait3A_103 = tpu.memref_slice %arg8[%dma_wait3A_102] : memref<500224xf32, #tpu.memory_space<vmem_shared>> -> memref<31616xf32, #tpu.memory_space<vmem_shared>>
        %dma_wait3A_104 = arith.constant 0 : i32
        %dma_wait3A_105 = tpu.memref_slice %arg7[%dma_wait3A_104] : memref<31616xf32, #tpu.memory_space<vmem>> -> memref<31616xf32, #tpu.memory_space<vmem>>
        %dma_wait3A_106 = arith.constant 468480 : i32
        %dma_wait3A_107 = tpu.memref_slice %arg8[%dma_wait3A_106] : memref<500224xf32, #tpu.memory_space<vmem_shared>> -> memref<31616xf32, #tpu.memory_space<vmem_shared>>
        tpu.wait_dma2 semaphore(%run_scoped3A_93 : memref<!tpu.dma_semaphore, #tpu.memory_space<semaphore_mem>>) src(%dma_wait3A_107 : memref<31616xf32, #tpu.memory_space<vmem_shared>>) dst(%dma_wait3A_105 : memref<31616xf32, #tpu.memory_space<vmem>>)
        tpu.yield
      }) : () -> ()
      %run_scoped3A_92 = arith.constant 0 : i32
      "tpu.region"() ({
        %run_scoped3A_93 = tpu.sem_alloc : memref<!tpu.dma_semaphore, #tpu.memory_space<semaphore_mem>>
        %dma_start3A = arith.constant 0 : i32
        %dma_start3A_94 = tpu.memref_slice %arg7[%dma_start3A] : memref<31616xf32, #tpu.memory_space<vmem>> -> memref<31616xf32, #tpu.memory_space<vmem>>
        %dma_start3A_95 = arith.constant 468480 : i32
        %dma_start3A_96 = tpu.memref_slice %arg4[%run_scoped3A_92, %dma_start3A_95] : memref<1x1000064xf32, #tpu.memory_space<hbm>> -> memref<1x31616xf32, #tpu.memory_space<hbm>>
        %dma_start3A_97 = tpu.memref_squeeze %dma_start3A_96 : memref<1x31616xf32, #tpu.memory_space<hbm>> -> memref<31616xf32, #tpu.memory_space<hbm>>
        %dma_start3A_98 = arith.constant 468480 : i32
        %dma_start3A_99 = tpu.memref_slice %arg4[%run_scoped3A_92, %dma_start3A_98] : memref<1x1000064xf32, #tpu.memory_space<hbm>> -> memref<1x31616xf32, #tpu.memory_space<hbm>>
        %dma_start3A_100 = tpu.memref_squeeze %dma_start3A_99 : memref<1x31616xf32, #tpu.memory_space<hbm>> -> memref<31616xf32, #tpu.memory_space<hbm>>
        %dma_start3A_101 = arith.constant 0 : i32
        %dma_start3A_102 = tpu.memref_slice %arg7[%dma_start3A_101] : memref<31616xf32, #tpu.memory_space<vmem>> -> memref<31616xf32, #tpu.memory_space<vmem>>
        tpu.enqueue_dma source(%dma_start3A_102 : memref<31616xf32, #tpu.memory_space<vmem>>) target(%dma_start3A_100 : memref<31616xf32, #tpu.memory_space<hbm>>) target_semaphore(%run_scoped3A_93 : memref<!tpu.dma_semaphore, #tpu.memory_space<semaphore_mem>>)
        %dma_wait3A = arith.constant 0 : i32
        %dma_wait3A_103 = tpu.memref_slice %arg7[%dma_wait3A] : memref<31616xf32, #tpu.memory_space<vmem>> -> memref<31616xf32, #tpu.memory_space<vmem>>
        %dma_wait3A_104 = arith.constant 468480 : i32
        %dma_wait3A_105 = tpu.memref_slice %arg4[%run_scoped3A_92, %dma_wait3A_104] : memref<1x1000064xf32, #tpu.memory_space<hbm>> -> memref<1x31616xf32, #tpu.memory_space<hbm>>
        %dma_wait3A_106 = tpu.memref_squeeze %dma_wait3A_105 : memref<1x31616xf32, #tpu.memory_space<hbm>> -> memref<31616xf32, #tpu.memory_space<hbm>>
        %dma_wait3A_107 = arith.constant 468480 : i32
        %dma_wait3A_108 = tpu.memref_slice %arg4[%run_scoped3A_92, %dma_wait3A_107] : memref<1x1000064xf32, #tpu.memory_space<hbm>> -> memref<1x31616xf32, #tpu.memory_space<hbm>>
        %dma_wait3A_109 = tpu.memref_squeeze %dma_wait3A_108 : memref<1x31616xf32, #tpu.memory_space<hbm>> -> memref<31616xf32, #tpu.memory_space<hbm>>
        %dma_wait3A_110 = arith.constant 0 : i32
        %dma_wait3A_111 = tpu.memref_slice %arg7[%dma_wait3A_110] : memref<31616xf32, #tpu.memory_space<vmem>> -> memref<31616xf32, #tpu.memory_space<vmem>>
        tpu.wait_dma2 semaphore(%run_scoped3A_93 : memref<!tpu.dma_semaphore, #tpu.memory_space<semaphore_mem>>) src(%dma_wait3A_111 : memref<31616xf32, #tpu.memory_space<vmem>>) dst(%dma_wait3A_109 : memref<31616xf32, #tpu.memory_space<hbm>>)
        tpu.yield
      }) : () -> ()
    } else {
    }
    %eq3A_84 = arith.constant 15 : i32
    %eq3A_85 = arith.cmpi eq, %arg1, %eq3A_84 : i32
    %eq3A_86 = arith.constant 1 : i32
    %eq3A_87 = arith.cmpi eq, %arg0, %eq3A_86 : i32
    %and3A_88 = arith.andi %eq3A_85, %eq3A_87 : i1
    %convert_element_type3A_89 = arith.extui %and3A_88 : i1 to i32
    %cond3A_90 = arith.constant 0 : i32
    %cond3A_91 = arith.cmpi ne, %convert_element_type3A_89, %cond3A_90 : i32
    scf.if %cond3A_91 {
      "tpu.region"() ({
        %run_scoped3A_93 = tpu.sem_alloc : memref<!tpu.dma_semaphore, #tpu.memory_space<semaphore_mem>>
        %dma_start3A = arith.constant 0 : i32
        %dma_start3A_94 = tpu.memref_slice %arg7[%dma_start3A] : memref<31616xf32, #tpu.memory_space<vmem>> -> memref<31488xf32, #tpu.memory_space<vmem>>
        %dma_start3A_95 = arith.constant 468480 : i32
        %dma_start3A_96 = tpu.memref_slice %arg8[%dma_start3A_95] : memref<500224xf32, #tpu.memory_space<vmem_shared>> -> memref<31488xf32, #tpu.memory_space<vmem_shared>>
        %dma_start3A_97 = arith.constant 0 : i32
        %dma_start3A_98 = tpu.memref_slice %arg7[%dma_start3A_97] : memref<31616xf32, #tpu.memory_space<vmem>> -> memref<31488xf32, #tpu.memory_space<vmem>>
        %dma_start3A_99 = arith.constant 468480 : i32
        %dma_start3A_100 = tpu.memref_slice %arg8[%dma_start3A_99] : memref<500224xf32, #tpu.memory_space<vmem_shared>> -> memref<31488xf32, #tpu.memory_space<vmem_shared>>
        tpu.enqueue_dma source(%dma_start3A_100 : memref<31488xf32, #tpu.memory_space<vmem_shared>>) target(%dma_start3A_98 : memref<31488xf32, #tpu.memory_space<vmem>>) target_semaphore(%run_scoped3A_93 : memref<!tpu.dma_semaphore, #tpu.memory_space<semaphore_mem>>)
        %dma_wait3A = arith.constant 0 : i32
        %dma_wait3A_101 = tpu.memref_slice %arg7[%dma_wait3A] : memref<31616xf32, #tpu.memory_space<vmem>> -> memref<31488xf32, #tpu.memory_space<vmem>>
        %dma_wait3A_102 = arith.constant 468480 : i32
        %dma_wait3A_103 = tpu.memref_slice %arg8[%dma_wait3A_102] : memref<500224xf32, #tpu.memory_space<vmem_shared>> -> memref<31488xf32, #tpu.memory_space<vmem_shared>>
        %dma_wait3A_104 = arith.constant 0 : i32
        %dma_wait3A_105 = tpu.memref_slice %arg7[%dma_wait3A_104] : memref<31616xf32, #tpu.memory_space<vmem>> -> memref<31488xf32, #tpu.memory_space<vmem>>
        %dma_wait3A_106 = arith.constant 468480 : i32
        %dma_wait3A_107 = tpu.memref_slice %arg8[%dma_wait3A_106] : memref<500224xf32, #tpu.memory_space<vmem_shared>> -> memref<31488xf32, #tpu.memory_space<vmem_shared>>
        tpu.wait_dma2 semaphore(%run_scoped3A_93 : memref<!tpu.dma_semaphore, #tpu.memory_space<semaphore_mem>>) src(%dma_wait3A_107 : memref<31488xf32, #tpu.memory_space<vmem_shared>>) dst(%dma_wait3A_105 : memref<31488xf32, #tpu.memory_space<vmem>>)
        tpu.yield
      }) : () -> ()
      %run_scoped3A_92 = arith.constant 0 : i32
      "tpu.region"() ({
        %run_scoped3A_93 = tpu.sem_alloc : memref<!tpu.dma_semaphore, #tpu.memory_space<semaphore_mem>>
        %dma_start3A = arith.constant 0 : i32
        %dma_start3A_94 = tpu.memref_slice %arg7[%dma_start3A] : memref<31616xf32, #tpu.memory_space<vmem>> -> memref<31488xf32, #tpu.memory_space<vmem>>
        %dma_start3A_95 = arith.constant 968576 : i32
        %dma_start3A_96 = tpu.memref_slice %arg4[%run_scoped3A_92, %dma_start3A_95] : memref<1x1000064xf32, #tpu.memory_space<hbm>> -> memref<1x31488xf32, #tpu.memory_space<hbm>>
        %dma_start3A_97 = tpu.memref_squeeze %dma_start3A_96 : memref<1x31488xf32, #tpu.memory_space<hbm>> -> memref<31488xf32, #tpu.memory_space<hbm>>
        %dma_start3A_98 = arith.constant 968576 : i32
        %dma_start3A_99 = tpu.memref_slice %arg4[%run_scoped3A_92, %dma_start3A_98] : memref<1x1000064xf32, #tpu.memory_space<hbm>> -> memref<1x31488xf32, #tpu.memory_space<hbm>>
        %dma_start3A_100 = tpu.memref_squeeze %dma_start3A_99 : memref<1x31488xf32, #tpu.memory_space<hbm>> -> memref<31488xf32, #tpu.memory_space<hbm>>
        %dma_start3A_101 = arith.constant 0 : i32
        %dma_start3A_102 = tpu.memref_slice %arg7[%dma_start3A_101] : memref<31616xf32, #tpu.memory_space<vmem>> -> memref<31488xf32, #tpu.memory_space<vmem>>
        tpu.enqueue_dma source(%dma_start3A_102 : memref<31488xf32, #tpu.memory_space<vmem>>) target(%dma_start3A_100 : memref<31488xf32, #tpu.memory_space<hbm>>) target_semaphore(%run_scoped3A_93 : memref<!tpu.dma_semaphore, #tpu.memory_space<semaphore_mem>>)
        %dma_wait3A = arith.constant 0 : i32
        %dma_wait3A_103 = tpu.memref_slice %arg7[%dma_wait3A] : memref<31616xf32, #tpu.memory_space<vmem>> -> memref<31488xf32, #tpu.memory_space<vmem>>
        %dma_wait3A_104 = arith.constant 968576 : i32
        %dma_wait3A_105 = tpu.memref_slice %arg4[%run_scoped3A_92, %dma_wait3A_104] : memref<1x1000064xf32, #tpu.memory_space<hbm>> -> memref<1x31488xf32, #tpu.memory_space<hbm>>
        %dma_wait3A_106 = tpu.memref_squeeze %dma_wait3A_105 : memref<1x31488xf32, #tpu.memory_space<hbm>> -> memref<31488xf32, #tpu.memory_space<hbm>>
        %dma_wait3A_107 = arith.constant 968576 : i32
        %dma_wait3A_108 = tpu.memref_slice %arg4[%run_scoped3A_92, %dma_wait3A_107] : memref<1x1000064xf32, #tpu.memory_space<hbm>> -> memref<1x31488xf32, #tpu.memory_space<hbm>>
        %dma_wait3A_109 = tpu.memref_squeeze %dma_wait3A_108 : memref<1x31488xf32, #tpu.memory_space<hbm>> -> memref<31488xf32, #tpu.memory_space<hbm>>
        %dma_wait3A_110 = arith.constant 0 : i32
        %dma_wait3A_111 = tpu.memref_slice %arg7[%dma_wait3A_110] : memref<31616xf32, #tpu.memory_space<vmem>> -> memref<31488xf32, #tpu.memory_space<vmem>>
        tpu.wait_dma2 semaphore(%run_scoped3A_93 : memref<!tpu.dma_semaphore, #tpu.memory_space<semaphore_mem>>) src(%dma_wait3A_111 : memref<31488xf32, #tpu.memory_space<vmem>>) dst(%dma_wait3A_109 : memref<31488xf32, #tpu.memory_space<hbm>>)
        tpu.yield
      }) : () -> ()
    } else {
    }
    return
  }
}

module attributes {stable_mosaic.version = 14 : i64} {
  func.func @table_scan_matvec_tc(%arg0: i32, %arg1: memref<64x32256xf32, #tpu.memory_space<vmem>>, %arg2: memref<1x32256xf32, #tpu.memory_space<vmem>>, %arg3: memref<1x128xf32, #tpu.memory_space<vmem>>, %arg4: memref<64x64xf32, #tpu.memory_space<vmem>>, %arg5: memref<64x64xf32, #tpu.memory_space<vmem>>, %arg6: memref<1x64xf32, #tpu.memory_space<vmem>>, %arg7: memref<1x64xf32, #tpu.memory_space<vmem>>) attributes {dimension_semantics = [#tpu.dimension_semantics<arbitrary>], iteration_bounds = array<i64: 31>, scalar_prefetch = 0 : i64, scratch_operands = 1 : i64, tpu.core_type = #tpu.core_type<tc>, window_params = [{transform_indices = @transform_0, window_bounds = array<i64: 64, 32256>}, {transform_indices = @transform_1, window_bounds = array<i64: 1, 32256>}, {transform_indices = @transform_2, window_bounds = array<i64: 1, 128>}, {pipeline_mode = #tpu.pipeline_mode<synchronous>, transform_indices = @transform_3, window_bounds = array<i64: 64, 64>}, {pipeline_mode = #tpu.pipeline_mode<synchronous>, transform_indices = @transform_4, window_bounds = array<i64: 64, 64>}, {pipeline_mode = #tpu.pipeline_mode<synchronous>, transform_indices = @transform_5, window_bounds = array<i64: 1, 64>}]} {
    %eq3A = arith.constant 0 : i32
    %eq3A_0 = arith.cmpi eq, %arg0, %eq3A : i32
    %convert_element_type3A = arith.extui %eq3A_0 : i1 to i32
    %cond3A = arith.constant 0 : i32
    %cond3A_1 = arith.cmpi ne, %convert_element_type3A, %cond3A : i32
    scf.if %cond3A_1 {
      %broadcast_in_dim3A_19 = arith.constant 0.000000e+00 : f32
      %broadcast_in_dim3A_20 = vector.broadcast %broadcast_in_dim3A_19 : f32 to vector<1x64xf32>
      %swap3A_21 = arith.constant 0 : index
      %swap3A_22 = arith.constant 0 : index
      %swap3A_23 = vector.load %arg7[%swap3A_21, %swap3A_22] : memref<1x64xf32, #tpu.memory_space<vmem>>, vector<1x64xf32>
      tpu.vector_store %arg7[%swap3A_21, %swap3A_22], %broadcast_in_dim3A_20 {strides = array<i32>} : memref<1x64xf32, #tpu.memory_space<vmem>>, vector<1x64xf32>,
    } else {
    }
    %get3A = arith.constant 0 : index
    %get3A_2 = arith.constant 0 : index
    %get3A_3 = vector.load %arg7[%get3A, %get3A_2] : memref<1x64xf32, #tpu.memory_space<vmem>>, vector<1x64xf32>
    %get3A_4 = arith.constant 0 : index
    %get3A_5 = arith.constant 0 : index
    %get3A_6 = vector.load %arg1[%get3A_4, %get3A_5] : memref<64x32256xf32, #tpu.memory_space<vmem>>, vector<64x32256xf32>
    %get3A_7 = arith.constant 0 : index
    %get3A_8 = arith.constant 0 : index
    %get3A_9 = vector.load %arg2[%get3A_7, %get3A_8] : memref<1x32256xf32, #tpu.memory_space<vmem>>, vector<1x32256xf32>
    %get3A_10 = vector.shape_cast %get3A_9 : vector<1x32256xf32> to vector<32256xf32>
    %dot_general3A = arith.constant dense<0.000000e+00> : vector<64xf32>
    %dot_general3A_11 = tpu.matmul %get3A_6, %get3A_10, %dot_general3A {dimension_numbers = #tpu.dot_dimension_numbers<[1], [0], [0], [], [0, 0], [], []>, transpose_lhs_hint = false} : vector<64x32256xf32>, vector<32256xf32>, vector<64xf32> -> vector<64xf32>
    %broadcast_in_dim3A = vector.shape_cast %dot_general3A_11 : vector<64xf32> to vector<1x64xf32>
    %add3A = arith.addf %get3A_3, %broadcast_in_dim3A : vector<1x64xf32>
    %swap3A = arith.constant 0 : index
    %swap3A_12 = arith.constant 0 : index
    %swap3A_13 = vector.load %arg7[%swap3A, %swap3A_12] : memref<1x64xf32, #tpu.memory_space<vmem>>, vector<1x64xf32>
    tpu.vector_store %arg7[%swap3A, %swap3A_12], %add3A {strides = array<i32>} : memref<1x64xf32, #tpu.memory_space<vmem>>, vector<1x64xf32>,
    %eq3A_14 = arith.constant 30 : i32
    %eq3A_15 = arith.cmpi eq, %arg0, %eq3A_14 : i32
    %convert_element_type3A_16 = arith.extui %eq3A_15 : i1 to i32
    %cond3A_17 = arith.constant 0 : i32
    %cond3A_18 = arith.cmpi ne, %convert_element_type3A_16, %cond3A_17 : i32
    scf.if %cond3A_18 {
      %get3A_19 = arith.constant 0 : index
      %get3A_20 = arith.constant 0 : index
      %get3A_21 = vector.load %arg4[%get3A_19, %get3A_20] : memref<64x64xf32, #tpu.memory_space<vmem>>, vector<64x64xf32>
      %get3A_22 = arith.constant 0 : index
      %get3A_23 = arith.constant 0 : index
      %get3A_24 = vector.load %arg3[%get3A_22, %get3A_23] : memref<1x128xf32, #tpu.memory_space<vmem>>, vector<1x64xf32>
      %get3A_25 = vector.shape_cast %get3A_24 : vector<1x64xf32> to vector<64xf32>
      %dot_general3A_26 = arith.constant dense<0.000000e+00> : vector<64xf32>
      %dot_general3A_27 = tpu.matmul %get3A_21, %get3A_25, %dot_general3A_26 {dimension_numbers = #tpu.dot_dimension_numbers<[1], [0], [0], [], [0, 0], [], []>, transpose_lhs_hint = false} : vector<64x64xf32>, vector<64xf32>, vector<64xf32> -> vector<64xf32>
      %get3A_28 = arith.constant 0 : index
      %get3A_29 = arith.constant 0 : index
      %get3A_30 = vector.load %arg7[%get3A_28, %get3A_29] : memref<1x64xf32, #tpu.memory_space<vmem>>, vector<1x64xf32>
      %get3A_31 = vector.shape_cast %get3A_30 : vector<1x64xf32> to vector<64xf32>
      %add3A_32 = arith.addf %get3A_31, %dot_general3A_27 : vector<64xf32>
      %mul3A = arith.constant 6.10351563E-5 : f32
      %mul3A_33 = vector.broadcast %mul3A : f32 to vector<64xf32>
      %mul3A_34 = arith.mulf %add3A_32, %mul3A_33 : vector<64xf32>
      %broadcast_in_dim3A_35 = vector.shape_cast %mul3A_34 : vector<64xf32> to vector<1x64xf32>
      %get3A_36 = arith.constant 0 : index
      %get3A_37 = arith.constant 0 : index
      %get3A_38 = vector.load %arg5[%get3A_36, %get3A_37] : memref<64x64xf32, #tpu.memory_space<vmem>>, vector<64x64xf32>
      %dot_general3A_39 = arith.constant dense<0.000000e+00> : vector<1x64xf32>
      %dot_general3A_40 = tpu.matmul %broadcast_in_dim3A_35, %get3A_38, %dot_general3A_39 {dimension_numbers = #tpu.dot_dimension_numbers<[1], [1], [0], [0], [0, 0, 1, 0], [], []>, transpose_lhs_hint = false} : vector<1x64xf32>, vector<64x64xf32>, vector<1x64xf32> -> vector<1x64xf32>
      %swap3A_41 = arith.constant 0 : index
      %swap3A_42 = arith.constant 0 : index
      %swap3A_43 = vector.load %arg6[%swap3A_41, %swap3A_42] : memref<1x64xf32, #tpu.memory_space<vmem>>, vector<1x64xf32>
      tpu.vector_store %arg6[%swap3A_41, %swap3A_42], %dot_general3A_40 {strides = array<i32>} : memref<1x64xf32, #tpu.memory_space<vmem>>, vector<1x64xf32>,
    } else {
    }
    return
  }
  func.func @transform_0(%arg0: i32) -> (i32, i32) {
    %c0_i32 = arith.constant 0 : i32
    %c0_i32_0 = arith.constant 0 : i32
    return %c0_i32, %arg0 : i32, i32
  }
  func.func @transform_1(%arg0: i32) -> (i32, i32) {
    %c0_i32 = arith.constant 0 : i32
    %c0_i32_0 = arith.constant 0 : i32
    return %c0_i32, %arg0 : i32, i32
  }
  func.func @transform_2(%arg0: i32) -> (i32, i32) {
    %c0_i32 = arith.constant 0 : i32
    %c7812_i32 = arith.constant 7812 : i32
    %c0_i32_0 = arith.constant 0 : i32
    return %c0_i32, %c7812_i32 : i32, i32
  }
  func.func @transform_3(%arg0: i32) -> (i32, i32) {
    %c0_i32 = arith.constant 0 : i32
    %c0_i32_0 = arith.constant 0 : i32
    %c0_i32_1 = arith.constant 0 : i32
    return %c0_i32, %c0_i32_0 : i32, i32
  }
  func.func @transform_4(%arg0: i32) -> (i32, i32) {
    %c0_i32 = arith.constant 0 : i32
    %c0_i32_0 = arith.constant 0 : i32
    %c0_i32_1 = arith.constant 0 : i32
    return %c0_i32, %c0_i32_0 : i32, i32
  }
  func.func @transform_5(%arg0: i32) -> (i32, i32) {
    %c0_i32 = arith.constant 0 : i32
    %c0_i32_0 = arith.constant 0 : i32
    %c0_i32_1 = arith.constant 0 : i32
    return %c0_i32, %c0_i32_0 : i32, i32
  }
}

</mosaic_0001>

<sc_bundles>
// kernel: token_histogram_sc.3.cloned.1.call-start
scs
__scs_entry_jumppad:
0x0: {  	(pc) =	sbr.rel $0x88, $3  }
0x1: {  	(tag) =	ssettag $0x0;
	lr =	simm.s32 $0x1  }
0x2: {  	[smem:$0x3F9E] =	sst lr;
	_ =	strace $0xD0000000  }
0x3: {  	_ = 	snop  }
0x4: {  	_ = 	snop  }
0x5: {  	_ = 	snop  }
0x6: {  	_ = 	snop  }
0x7: {  	_ = 	snop  }
__scs_overlays_trampoline_lowered:
0x8: {  	[smem:$0x3FAD] =	sst s0  }
0x9: {  	[smem:$0x3FAE] =	sst s1  }
0xa: {  	[smem:$0x3FAF] =	sst s2  }
0xb: {  	[smem:$0x3FB0] =	sst s3  }
0xc: {  	[smem:$0x3FB1] =	sst s4  }
0xd: {  	[smem:$0x3FB2] =	sst s5  }
0xe: {  	[smem:$0x3FB3] =	sst s6  }
0xf: {  	[smem:$0x3FB4] =	sst s7  }
0x10: {  	[smem:$0x3FB5] =	sst s8  }
0x11: {  	[smem:$0x3FB6] =	sst s9;
	s0 =	simm.s32 @!p0 $0x0  }
0x12: {  	s1 =	sld [smem:$0x3F9C];
	s0 =	simm.s32 @p0 $0x1  }
0x13: {  	[smem:$0x3FB7] =	sst s0;
	s0 =	simm.s32 @!p1 $0x0  }
0x14: {  	s2 =	sld [smem:$0x3F9B];
	s0 =	simm.s32 @p1 $0x1  }
0x15: {  	[smem:$0x3FB8] =	sst s0;
	s0 =	simm.s32 @!p2 $0x0  }
0x16: {  	s3 =	sld [smem:$0x3FDB];
	s0 =	simm.s32 @p2 $0x1  }
0x17: {  	s4 =	simm.s32 $0x1BF5;
	[smem:$0x3FBA] =	sst s0  }
0x18: {  	s0 =	sld [smem:$0x3F9D];
	_ =	swait.ge [sflag:s4], $0x0  }
0x19: {  	s7 =	sld [smem:$0x3F9E]  }
0x1a: {  	s8 =	sadd.s32 $0xFFFFE003, lr  }
0x1b: {  	s9 =	sadd.s32 $0xFFFFFEF7, lr;
	s5 =	simm.s32 $0xFFFFFFFF;
	p2 =	slt.u32 s8, $0xFFFFF086  }
0x1c: {  	p1 =	slt.u32 s9, $0xF7A;
	s5 =	simm.s32 @!p2 $0x0  }
0x1d: {  	s5 =	simm.s32 @p1 $0x1;
	p0 =	seq.s32 s7, s2  }
0x1e: {  	s7 =	smul.u32 @!p0 $0xF7A, s2;
	p2 =	seq.s32 @!p0 s5, $0x0  }
0x1f: {  	s9 =	smul.u32 $0xF7A, s1;
	s8 =	simm.s32 @!p0 $0x1BF5;
	p2 =	por !p2, p0  }
0x20: {  	[sflag:s8] =	ssyncset.s32 @!p0 $0xFFFFF086;
	s6 =	sadd.s32 @!p0 s3, s7;
	s7 =	simm.s32 @!p0 $0x108  }
0x21: {  	s3 =	sadd.s32 s3, s9;
	s6 =	sadd.s32 @!p0 $0x88, s6;
	s7 =	simm.s32 @p2 $0x1082  }
0x22: {  	[simem:s7], [sflag:s8] =	dma.local @!p0 [hbm:s6], $0xF7A  }
0x23: {  	s9 =	sor.u32 $0xD0000000, s2;
	s6 =	simm.s32 $0x108;
	_ =	swait.ge @!p0 [sflag:s8], $0x0  }
0x24: {  	s3 =	sadd.s32 $0x88, s3;
	s6 =	simm.s32 @!p1 $0x1082;
	[sflag:s4] =	ssyncset.s32 $0xFFFFF086  }
0x25: {  	[simem:s6], [sflag:s4] =	dma.local [hbm:s3], $0xF7A  }
0x26: {  	[smem:$0x3F9E] =	sst s1;
	(tag) =	ssettag s2;
	_ =	strace s9  }
0x27: {  	s1 =	sld [smem:$0x3FAE]  }
0x28: {  	s2 =	sld [smem:$0x3FAF]  }
0x29: {  	s4 =	sld [smem:$0x3FB1]  }
0x2a: {  	p0 =	seq.s32 s5, $0x0;
	s5 =	sld [smem:$0x3FB2]  }
0x2b: {  	s6 =	sld [smem:$0x3FB3]  }
0x2c: {  	s7 =	sld [smem:$0x3FB4]  }
0x2d: {  	s3 =	simm.s32 $0x108;
	s8 =	sld [smem:$0x3FB5]  }
0x2e: {  	s3 =	simm.s32 @!p0 $0x1082;
	s9 =	sld [smem:$0x3FB6]  }
0x2f: {  	lr =	sadd.s32 s0, s3;
	s0 =	sld [smem:$0x3FAD]  }
0x30: {  	s3 =	sld [smem:$0x3FB0]  }
0x31: {  	[smem:$0x3FB9] =	sst s10  }
0x32: {  	s10 =	sld [smem:$0x3FB7];
	_ =	sdelay $0x3  }
0x33: {  	p0 =	seq.s32 s10, $0x1;
	s10 =	sld [smem:$0x3FB9];
	_ =	sdelay $0x3  }
0x34: {  	[smem:$0x3FB9] =	sst s10  }
0x35: {  	s10 =	sld [smem:$0x3FB8];
	_ =	sdelay $0x3  }
0x36: {  	p1 =	seq.s32 s10, $0x1;
	s10 =	sld [smem:$0x3FB9];
	_ =	sdelay $0x3  }
0x37: {  	[smem:$0x3FB9] =	sst s10  }
0x38: {  	s10 =	sld [smem:$0x3FBA]  }
0x39: {  	_ = 	snop;
	(pc) =	sbr.ind lr, $3  }
0x3a: {  	_ = 	snop  }
0x3b: {  	_ = 	snop  }
0x3c: {  	p2 =	seq.s32 s10, $0x1;
	s10 =	sld [smem:$0x3FB9]  }
0x3d: {  	_ =	shalt  }
0x3e: {  	_ =	shalt  }
0x3f: {  	_ =	shalt  }
0x40: {  	_ =	shalt  }
0x41: {  	_ =	shalt  }
0x42: {  	_ =	shalt  }
0x43: {  	_ =	shalt  }
0x44: {  	_ =	shalt  }
0x45: {  	_ =	shalt  }
0x46: {  	_ =	shalt  }
0x47: {  	_ =	shalt  }
0x48: {  	_ =	shalt  }
0x49: {  	_ =	shalt  }
0x4a: {  	_ =	shalt  }
0x4b: {  	_ =	shalt  }
0x4c: {  	_ =	shalt  }
0x4d: {  	_ =	shalt  }
0x4e: {  	_ =	shalt  }
0x4f: {  	_ =	shalt  }
0x50: {  	_ =	shalt  }
0x51: {  	_ =	shalt  }
0x52: {  	_ =	shalt  }
0x53: {  	_ =	shalt  }
0x54: {  	_ =	shalt  }
0x55: {  	_ =	shalt  }
0x56: {  	_ =	shalt  }
0x57: {  	_ =	shalt  }
0x58: {  	_ =	shalt  }
0x59: {  	_ =	shalt  }
0x5a: {  	_ =	shalt  }
0x5b: {  	_ =	shalt  }
0x5c: {  	_ =	shalt  }
0x5d: {  	_ =	shalt  }
0x5e: {  	_ =	shalt  }
0x5f: {  	_ =	shalt  }
0x60: {  	_ =	shalt  }
0x61: {  	_ =	shalt  }
0x62: {  	_ =	shalt  }
0x63: {  	_ =	shalt  }
0x64: {  	_ =	shalt  }
0x65: {  	_ =	shalt  }
0x66: {  	_ =	shalt  }
0x67: {  	_ =	shalt  }
0x68: {  	_ =	shalt  }
0x69: {  	_ =	shalt  }
0x6a: {  	_ =	shalt  }
0x6b: {  	_ =	shalt  }
0x6c: {  	_ =	shalt  }
0x6d: {  	_ =	shalt  }
0x6e: {  	_ =	shalt  }
0x6f: {  	_ =	shalt  }
0x70: {  	_ =	shalt  }
0x71: {  	_ =	shalt  }
0x72: {  	_ =	shalt  }
0x73: {  	_ =	shalt  }
0x74: {  	_ =	shalt  }
0x75: {  	_ =	shalt  }
0x76: {  	_ =	shalt  }
0x77: {  	_ =	shalt  }
0x78: {  	_ =	shalt  }
0x79: {  	_ =	shalt  }
0x7a: {  	_ =	shalt  }
0x7b: {  	_ =	shalt  }
0x7c: {  	_ =	shalt  }
0x7d: {  	_ =	shalt  }
0x7e: {  	_ =	shalt  }
0x7f: {  	_ =	shalt  }
0x80: {  	_ =	shalt  }
0x81: {  	_ =	shalt  }
0x82: {  	_ =	shalt  }
0x83: {  	_ =	shalt  }
0x84: {  	_ =	shalt  }
0x85: {  	_ =	shalt  }
0x86: {  	_ =	shalt  }
0x87: {  	_ =	shalt  }
.Lfunc_end0:
.L_simem_size_0:
called_computation_lowered:
.L_overlay_start_0:
0x88: {  	s2 =	sld [smem:$0x3FD9]  }
0x89: {  	s3 =	sld [smem:$0x3FFE];
	_ =	sdelay $0x1  }
0x8a: {  	s1 =	srdreg.scid  }
0x8b: {  	s0 =	sand.u32 $0x1, s1  }
0x8c: {  	s17 =	sshll.u32 s0, $0xA;
	s2 =	sadd.s32 s3, s2  }
0x8d: {  	s2 =	sadd.s32 s2, s17  }
0x8e: {  	[smem:$0x3FC5] =	sst s2  }
0x8f: {  	_ = 	snop  }
0x90: {  	s2 =	sld [smem:$0x3FC9];
	(tm) =	ssettm $0x1  }
0x91: {  	s18 =	sld [smem:$0x3FFB];
	_ =	sdelay $0x3  }
0x92: {  	_ =	strace s18  }
0x93: {  	s3 =	sld [smem:$0x3FFC];
	_ =	sdelay $0x3  }
0x94: {  	_ =	strace s3  }
0x95: {  	s3 =	sld [smem:$0x3FFD];
	_ =	sdelay $0x3  }
0x96: {  	_ =	strace s3  }
0x97: {  	_ =	strace $0x8FFFFFFF  }
0x98: {  	s19 =	sld [smem:$0x3FDB];
	_ =	sdelay $0x1  }
0x99: {  	s4 =	simm.s32 $_scs_section_size  }
0x9a: {  	s5 =	simm.s32 $_size__tile_overlayer_lowered;
	s6 =	simm.s32 $_tile_overlayer_lowered  }
0x9b: {  	s22 =	simm.s32 $0x1BFF;
	s21 =	sshll.u32 s6, $0x1;
	s3 =	sadd.s32 s4, s19  }
0x9c: {  	s7 =	simm.s32 $0x0;
	s20 =	sshll.u32 s5, $0x1;
	s5 =	sadd.s32 s21, s3  }
0x9d: {  	[timem:s7], [sflag:s22] =	dma.local [hbm:s5], s20  }
0x9e: {  	_ =	swait.ge [sflag:s22], s20  }
0x9f: {  	s4 =	ssub.s32 $0x0, s20;
	[sflag:s22] =	ssyncset.done $0x0  }
0xa0: {  	[sflag:s22] =	ssyncadd.s32 s4;
	_ =	sdelay $0x1  }
0xa1: {  	s23 =	simm.s32 $0x1B8B  }
0xa2: {  	_ =	swait.ge [sflag:s23], $0x1  }
0xa3: {  	[sflag:s23] =	ssyncset.done $0x0  }
0xa4: {  	s25 =	simm.s32 $0x1B8E;
	s24 =	sld [smem:$0x3FFE];
	[sflag:s23] =	ssyncadd.s32 $0xFFFFFFFF  }
0xa5: {  	s26 =	simm.s32 $execute0_lowered;
	[smem:$0x3FD2] =	sst s25  }
0xa6: {  	s5 =	sshll.u32 s26, $0x1;
	_ =	strace $0x80000046;
	[dreg:$0x1] =	wrdreg $0xFFFFFFFF  }
0xa7: {  	s28 =	simm.s32 $_size_execute0_lowered;
	s3 =	sadd.s32 s3, s5;
	[dreg:$0x0] =	wrdreg $0x0  }
0xa8: {  	s5 =	sshll.u32 s28, $0x1;
	[dreg:$0x2] =	wrdreg s3  }
0xa9: {  	[dreg:$0x3] =	wrdreg s5  }
0xaa: {  	[dreg:$0x4] =	wrdreg $0xC0  }
0xab: {  	_ =	task [dreg:s7], $0x5FFFF  }
0xac: {  	[dreg:$0x1] =	wrdreg $0xFFFFFFFF  }
0xad: {  	[dreg:$0x0] =	wrdreg $0x60  }
0xae: {  	[dreg:$0x2] =	wrdreg s2  }
0xaf: {  	[dreg:$0x3] =	wrdreg s24  }
0xb0: {  	[dreg:$0x4] =	wrdreg $0x80000  }
0xb1: {  	[dreg:$0x5] =	wrdreg $0x9  }
0xb2: {  	_ =	task.clear_ibuf [dreg:s7], $0x6FFFF;
	_ =	strace $0x90000046  }
0xb3: {  	s29 =	simm.s32 $0x9;
	_ =	strace $0x80000048  }
0xb4: {  	_ =	swait.ge [sflag:s29], $0x1  }
0xb5: {  	[sflag:s29] =	ssyncadd.s32 $0xFFFFFFFF  }
0xb6: {  	_ =	strace $0x90000048  }
0xb7: {  	_ =	sfence  }
0xb8: {  	s30 =	sld [smem:$0x0];
	_ =	sdelay $0x2  }
0xb9: {  	s31 =	sshll.u32 s1, $0xD;
	s1 =	sshrl.u32 s1, $0x2  }
0xba: {  	s3 =	sand.u32 $0x4000, s31;
	s1 =	sadd.s32 s1, s30  }
0xbb: {  	s0 =	sor.u32 s3, s0;
	s1 =	sshll.u32 s1, $0x11  }
0xbc: {  	s0 =	sor.u32 s1, s0  }
0xbd: {  	s0 =	sadd.s32 $0x8F2B, s0  }
0xbe: {  	[sflag:s0] =	ssyncadd.remote.s32 $0x1  }
0xbf: {  	_ =	sfence.sel $0xFFFF  }
0xc0: {  	[dreg:$0x0] =	wrdreg $0xFFFFFFFF;
	(pc) =	sbr.abs _section_cstart, $3  }
0xc1: {  	[dreg:$0x1] =	wrdreg $0xFFFFFFFF  }
0xc2: {  	_ =	task.clear_ibuf [dreg:s7], $0x2FFFF;
	_ =	strace $0x9FFFFFFF  }
0xc3: {  	(tm) =	ssettm $0x7FFFFFFF  }
tec
execute0_lowered:
.L_overlay_start_1:
0x0: {  	(tag) =	ssettag $0x1  }
0x1: {  	s4 =	rddreg [dreg:$0x0]  }
0x2: {  	s1 =	rddreg [dreg:$0x1]  }
0x3: {  	s2 =	rddreg [dreg:$0x2]  }
0x4: {  	s0 =	srdreg.scid;
	s23 =	stileid.u32;
	s3 =	simm.s32 $0x0  }
0x5: {  	s0 =	sand.u32 $0x1, s0;
	s5 =	sshll.u32 s23, $0x7;
	[smem:$0x7FF] =	sst s3  }
0x6: {  	s22 =	sadd.s32 $0x800, s1;
	s6 =	sshll.u32 s0, $0xB;
	s4 =	sadd.s32 s4, s5  }
0x7: {  	_ =	strace $0x80000047;
	[dreg:$0x4] =	wrdreg s22;
	s4 =	sadd.s32 s6, s4  }
0x8: {  	[dreg:$0x5] =	wrdreg s4  }
0x9: {  	s4 =	simm.s32 $0x1;
	s21 =	rddreg [dreg:$0x5]  }
0xa: {  	[tilespmem:s3], [sflag:$0x1] =	stream.linear.gather [hbm4b:s21+s3], $0x400, $0x38;
	[tilespmem:$0xFA20] =	vst v63  }
0xb: {  	_ =	swait.ge [sflag:s4], $0x400  }
0xc: {  	[sflag:s4] =	ssyncset.done $0x0  }
0xd: {  	v0 =	vimm.f32 $1.000000000e+00;
	[sflag:s4] =	ssyncadd.s32 $0xFFFFFC00  }
0xe: {  	[tilespmem:$0x470] =	vst v0  }
0xf: {  	[tilespmem:$0x460] =	vst v0  }
0x10: {  	[tilespmem:$0x450] =	vst v0  }
0x11: {  	[tilespmem:$0x440] =	vst v0  }
0x12: {  	[tilespmem:$0x430] =	vst v0  }
0x13: {  	[tilespmem:$0x420] =	vst v0  }
0x14: {  	[tilespmem:$0x400] =	vst v0  }
0x15: {  	s25 =	simm.s32 $0x480;
	p0 =	seq.s32 s23, $0xF;
	s24 =	rddreg [dreg:$0x4];
	[tilespmem:$0x410] =	vst v0  }
0x16: {  	[tilespmem:s25], [sflag:$0x1] =	stream.linear.gather [hbm4b:s24+s3], $0x7B80, $0x38;
	[tilespmem:$0xFA20] =	vst v63  }
0x17: {  	p1 =	sne.s32 @p0 s0, $0x0;
	_ =	swait.ge [sflag:s4], $0x7B80  }
0x18: {  	s6 =	sadd.s32 $0x72600, s2;
	p1 =	por p1, !p0;
	[sflag:s4] =	ssyncset.done $0x0  }
0x19: {  	s5 =	simm.s32 @!p1 $0x480;
	s8 =	simm.s32 @!p1 $0x1;
	[sflag:s4] =	ssyncadd.s32 $0xFFFF8480  }
0x1a: {  	[spmem:s6] =	stream.linear.scatter @!p1 [tilespmem:s5], [sflag:$0x1], $0x7B80, $0x38;
	[tilespmem:$0xFA20] =	vst v63  }
0x1b: {  	p2 =	seq.s32 s0, $0x1;
	_ =	swait.ge @!p1 [sflag:s8], $0x7B80  }
0x1c: {  	s11 =	smul.u32 $0x1E800, s23;
	p2 =	por !p2, !p0;
	[sflag:s8] =	ssyncset.done @!p1 $0x0  }
0x1d: {  	s9 =	simm.s32 @!p2 $0x480;
	s10 =	simm.s32 @!p2 $0x1;
	[sflag:s8] =	ssyncadd.s32 @!p1 $0xFFFF8480  }
0x1e: {  	[spmem:s6] =	stream.linear.scatter @!p2 [tilespmem:s9], [sflag:$0x1], $0x7B00, $0x38;
	[tilespmem:$0xFA20] =	vst v63  }
0x1f: {  	_ =	swait.ge @!p2 [sflag:s10], $0x7B00  }
0x20: {  	s12 =	simm.s32 @!p0 $0x480;
	s11 =	sshrl.u32 s11, $0x2;
	[sflag:s10] =	ssyncset.done @!p2 $0x0  }
0x21: {  	s13 =	simm.s32 @!p0 $0x1;
	s11 =	sadd.s32 s11, s2;
	[sflag:s10] =	ssyncadd.s32 @!p2 $0xFFFF8500  }
0x22: {  	[spmem:s11] =	stream.linear.scatter @!p0 [tilespmem:s12], [sflag:$0x1], $0x7A00, $0x38;
	[tilespmem:$0xFA20] =	vst v63  }
0x23: {  	_ =	swait.ge @!p0 [sflag:s13], $0x7A00  }
0x24: {  	[sflag:s13] =	ssyncset.done @!p0 $0x0  }
0x25: {  	[sflag:s13] =	ssyncadd.s32 @!p0 $0xFFFF8600  }
0x26: {  	s14 =	simm.s32 $0x80;
	s15 =	simm.s32 $0x400;
	[bflag:$0x0] =	sbarrier.arrive $0xFFFF  }
0x27: {  	[spmem:s2] =	stream.indirect.scatter.add.f32 [tilespmem:s15], [sflag:$0x1], $0x1, s3, s14, $0xb8;
	[tilespmem:$0xFA20] =	vst v63  }
0x28: {  	_ =	swait.ge [sflag:s4], $0x80  }
0x29: {  	[sflag:s4] =	ssyncset.done $0x0  }
0x2a: {  	[sflag:s4] =	ssyncadd.s32 $0xFFFFFF80  }
0x2b: {  	[spmem:s2] =	stream.indirect.scatter.add.f32 [tilespmem:s15], [sflag:$0x1], $0x1, s14, s14, $0xb8;
	[tilespmem:$0xFA20] =	vst v63  }
0x2c: {  	_ =	swait.ge [sflag:s4], $0x80  }
0x2d: {  	[sflag:s4] =	ssyncset.done $0x0  }
0x2e: {  	s16 =	simm.s32 $0x100;
	[sflag:s4] =	ssyncadd.s32 $0xFFFFFF80  }
0x2f: {  	[spmem:s2] =	stream.indirect.scatter.add.f32 [tilespmem:s15], [sflag:$0x1], $0x1, s16, s14, $0xb8;
	[tilespmem:$0xFA20] =	vst v63  }
0x30: {  	_ =	swait.ge [sflag:s4], $0x80  }
0x31: {  	[sflag:s4] =	ssyncset.done $0x0  }
0x32: {  	s17 =	simm.s32 $0x180;
	[sflag:s4] =	ssyncadd.s32 $0xFFFFFF80  }
0x33: {  	[spmem:s2] =	stream.indirect.scatter.add.f32 [tilespmem:s15], [sflag:$0x1], $0x1, s17, s14, $0xb8;
	[tilespmem:$0xFA20] =	vst v63  }
0x34: {  	_ =	swait.ge [sflag:s4], $0x80  }
0x35: {  	[sflag:s4] =	ssyncset.done $0x0  }
0x36: {  	s18 =	simm.s32 $0x200;
	[sflag:s4] =	ssyncadd.s32 $0xFFFFFF80  }
0x37: {  	[spmem:s2] =	stream.indirect.scatter.add.f32 [tilespmem:s15], [sflag:$0x1], $0x1, s18, s14, $0xb8;
	[tilespmem:$0xFA20] =	vst v63  }
0x38: {  	_ =	swait.ge [sflag:s4], $0x80  }
0x39: {  	[sflag:s4] =	ssyncset.done $0x0  }
0x3a: {  	s19 =	simm.s32 $0x280;
	[sflag:s4] =	ssyncadd.s32 $0xFFFFFF80  }
0x3b: {  	[spmem:s2] =	stream.indirect.scatter.add.f32 [tilespmem:s15], [sflag:$0x1], $0x1, s19, s14, $0xb8;
	[tilespmem:$0xFA20] =	vst v63  }
0x3c: {  	_ =	swait.ge [sflag:s4], $0x80  }
0x3d: {  	[sflag:s4] =	ssyncset.done $0x0  }
0x3e: {  	s20 =	simm.s32 $0x300;
	[sflag:s4] =	ssyncadd.s32 $0xFFFFFF80  }
0x3f: {  	[spmem:s2] =	stream.indirect.scatter.add.f32 [tilespmem:s15], [sflag:$0x1], $0x1, s20, s14, $0xb8;
	[tilespmem:$0xFA20] =	vst v63  }
0x40: {  	_ =	swait.ge [sflag:s4], $0x80  }
0x41: {  	[sflag:s4] =	ssyncset.done $0x0  }
0x42: {  	s23 =	smul.u32 $0x7A00, s23;
	s21 =	simm.s32 $0x380;
	[sflag:s4] =	ssyncadd.s32 $0xFFFFFF80  }
0x43: {  	[spmem:s2] =	stream.indirect.scatter.add.f32 [tilespmem:s15], [sflag:$0x1], $0x1, s21, s14, $0xb8;
	[tilespmem:$0xFA20] =	vst v63  }
0x44: {  	s30 =	sadd.s32 $0xFCC0, s1;
	s28 =	sadd.s32 $0x1F0F0, s1;
	_ =	swait.ge [sflag:s4], $0x80  }
0x45: {  	s22 =	smul.u32 $0x7A180, s0;
	p3 =	seq.s32 s0, $0x0;
	[sflag:s4] =	ssyncset.done $0x0  }
0x46: {  	p5 =	por @!p0 $0x0, $0x0;
	s0 =	ssub.s32 $0x2, s0;
	[sflag:s4] =	ssyncadd.s32 $0xFFFFFF80  }
0x47: {  	s24 =	sadd.s32 s23, s22;
	s22 =	sadd.s32 s23, s2;
	[bflag:$0x0] =	sbarrier.arrive $0xFFFF  }
0x48: {  	[tilespmem:s12], [sflag:$0x1] =	stream.linear.gather @!p0 [spmem:s22], $0x7A00, $0x38;
	[tilespmem:$0xFA20] =	vst v63  }
0x49: {  	p4 =	por @p0 $0x0, $0x0;
	s26 =	sshrl.u32 s24, $0x3;
	_ =	swait.ge @!p0 [sflag:s13], $0x7A00  }
0x4a: {  	p3 =	por @!p0 p5, p5;
	s23 =	sadd.s32 s26, s1;
	[sflag:s13] =	ssyncset.done @!p0 $0x0  }
0x4b: {  	s24 =	simm.s32 @!p0 $0x0;
	s23 =	sadd.s32 $0x1800, s23;
	[sflag:s13] =	ssyncadd.s32 @!p0 $0xFFFF8600  }
0x4c: {  	[hbm4b:s23+s24] =	stream.linear.scatter @!p0 [tilespmem:s12], [sflag:$0x1], $0x7A00, $0x38;
	[tilespmem:$0xFA20] =	vst v63  }
0x4d: {  	p6 =	por @!p2 $0x1, $0x1;
	s26 =	sshrl.u32 s0, $0x1;
	_ =	swait.ge @!p0 [sflag:s13], $0x7A00  }
0x4e: {  	s25 =	simm.s32 @p3 $0x480;
	s0 =	ssub.s32 s0, s26;
	[sflag:s13] =	ssyncset.done @!p0 $0x0  }
0x4f: {  	s26 =	simm.s32 @p3 $0x1;
	s29 =	smax.u32 s0, $0x1;
	[sflag:s13] =	ssyncadd.s32 @!p0 $0xFFFF8600  }
0x50: {  	[tilespmem:s25], [sflag:$0x1] =	stream.linear.gather @p3 [spmem:s6], $0x7B80, $0x38;
	[tilespmem:$0xFA20] =	vst v63  }
0x51: {  	p4 =	por @!p2 p6, p6;
	s1 =	sadd.s32 $0xFFFFFFFF, s29;
	_ =	swait.ge @p3 [sflag:s26], $0x7B80  }
0x52: {  	p4 =	por @!p0 p5, p5;
	p5 =	sne.s32 s1, $0x0;
	[sflag:s26] =	ssyncset.done @p3 $0x0  }
.Ltmp0:
0x53: {  	s0 =	simm.s32 @p3 $0x0;
	[sflag:s26] =	ssyncadd.s32 @p3 $0xFFFF8480;
	(pc) =	sbr.rel @!p5 .LBB2_3-.Ltmp0, $4  }
0x54: {  	[hbm4b:s30+s0] =	stream.linear.scatter @p3 [tilespmem:s25], [sflag:$0x1], $0x7B80, $0x38;
	[tilespmem:$0xFA20] =	vst v63  }
0x55: {  	_ =	swait.ge @p3 [sflag:s26], $0x7B80  }
0x56: {  	[sflag:s26] =	ssyncset.done @p3 $0x0  }
0x57: {  	s31 =	simm.s32 @p4 $0x480;
	s29 =	simm.s32 @p4 $0x1;
	[sflag:s26] =	ssyncadd.s32 @p3 $0xFFFF8480  }
0x58: {  	s7 =	simm.s32 $0x480  }
.LBB2_2:
0x59: {  	[tilespmem:s31], [sflag:$0x1] =	stream.linear.gather @p4 [spmem:s6], $0x7B00, $0x38;
	[tilespmem:$0xFA20] =	vst v63  }
0x5a: {  	_ =	swait.ge @p4 [sflag:s29], $0x7B00  }
0x5b: {  	[sflag:s29] =	ssyncset.done @p4 $0x0  }
0x5c: {  	s5 =	simm.s32 @p4 $0x0;
	[sflag:s29] =	ssyncadd.s32 @p4 $0xFFFF8500  }
0x5d: {  	[hbm4b:s28+s5] =	stream.linear.scatter @p4 [tilespmem:s31], [sflag:$0x1], $0x7B00, $0x38;
	[tilespmem:$0xFA20] =	vst v63  }
0x5e: {  	_ =	swait.ge @p4 [sflag:s29], $0x7B00  }
0x5f: {  	[sflag:s29] =	ssyncset.done @p4 $0x0  }
0x60: {  	s5 =	rddreg [dreg:$0x5];
	[sflag:s29] =	ssyncadd.s32 @p4 $0xFFFF8500  }
0x61: {  	[tilespmem:s3], [sflag:$0x1] =	stream.linear.gather [hbm4b:s5+s3], $0x400, $0x38;
	[tilespmem:$0xFA20] =	vst v63  }
0x62: {  	_ =	swait.ge [sflag:s4], $0x400  }
0x63: {  	[sflag:s4] =	ssyncset.done $0x0  }
0x64: {  	[sflag:s4] =	ssyncadd.s32 $0xFFFFFC00  }
0x65: {  	[tilespmem:$0x470] =	vst v0  }
0x66: {  	[tilespmem:$0x460] =	vst v0  }
0x67: {  	[tilespmem:$0x450] =	vst v0  }
0x68: {  	[tilespmem:$0x440] =	vst v0  }
0x69: {  	[tilespmem:$0x430] =	vst v0  }
0x6a: {  	[tilespmem:$0x420] =	vst v0  }
0x6b: {  	[tilespmem:$0x400] =	vst v0  }
0x6c: {  	s5 =	rddreg [dreg:$0x4];
	[tilespmem:$0x410] =	vst v0  }
0x6d: {  	[tilespmem:s7], [sflag:$0x1] =	stream.linear.gather [hbm4b:s5+s3], $0x7B80, $0x38;
	[tilespmem:$0xFA20] =	vst v63  }
0x6e: {  	_ =	swait.ge [sflag:s4], $0x7B80  }
0x6f: {  	[sflag:s4] =	ssyncset.done $0x0  }
0x70: {  	s5 =	simm.s32 @!p1 $0x480;
	[sflag:s4] =	ssyncadd.s32 $0xFFFF8480  }
0x71: {  	[spmem:s6] =	stream.linear.scatter @!p1 [tilespmem:s5], [sflag:$0x1], $0x7B80, $0x38;
	[tilespmem:$0xFA20] =	vst v63  }
0x72: {  	_ =	swait.ge @!p1 [sflag:s8], $0x7B80  }
0x73: {  	[sflag:s8] =	ssyncset.done @!p1 $0x0  }
0x74: {  	[sflag:s8] =	ssyncadd.s32 @!p1 $0xFFFF8480  }
0x75: {  	[spmem:s6] =	stream.linear.scatter @!p2 [tilespmem:s9], [sflag:$0x1], $0x7B00, $0x38;
	[tilespmem:$0xFA20] =	vst v63  }
0x76: {  	_ =	swait.ge @!p2 [sflag:s10], $0x7B00  }
0x77: {  	[sflag:s10] =	ssyncset.done @!p2 $0x0  }
0x78: {  	[sflag:s10] =	ssyncadd.s32 @!p2 $0xFFFF8500  }
0x79: {  	[spmem:s11] =	stream.linear.scatter @!p0 [tilespmem:s12], [sflag:$0x1], $0x7A00, $0x38;
	[tilespmem:$0xFA20] =	vst v63  }
0x7a: {  	_ =	swait.ge @!p0 [sflag:s13], $0x7A00  }
0x7b: {  	[sflag:s13] =	ssyncset.done @!p0 $0x0  }
0x7c: {  	[sflag:s13] =	ssyncadd.s32 @!p0 $0xFFFF8600  }
0x7d: {  	[bflag:$0x0] =	sbarrier.arrive $0xFFFF  }
0x7e: {  	[spmem:s2] =	stream.indirect.scatter.add.f32 [tilespmem:s15], [sflag:$0x1], $0x1, s3, s14, $0xb8;
	[tilespmem:$0xFA20] =	vst v63  }
0x7f: {  	_ =	swait.ge [sflag:s4], $0x80  }
0x80: {  	[sflag:s4] =	ssyncset.done $0x0  }
0x81: {  	[sflag:s4] =	ssyncadd.s32 $0xFFFFFF80  }
0x82: {  	[spmem:s2] =	stream.indirect.scatter.add.f32 [tilespmem:s15], [sflag:$0x1], $0x1, s14, s14, $0xb8;
	[tilespmem:$0xFA20] =	vst v63  }
0x83: {  	_ =	swait.ge [sflag:s4], $0x80  }
0x84: {  	[sflag:s4] =	ssyncset.done $0x0  }
0x85: {  	[sflag:s4] =	ssyncadd.s32 $0xFFFFFF80  }
0x86: {  	[spmem:s2] =	stream.indirect.scatter.add.f32 [tilespmem:s15], [sflag:$0x1], $0x1, s16, s14, $0xb8;
	[tilespmem:$0xFA20] =	vst v63  }
0x87: {  	_ =	swait.ge [sflag:s4], $0x80  }
0x88: {  	[sflag:s4] =	ssyncset.done $0x0  }
0x89: {  	[sflag:s4] =	ssyncadd.s32 $0xFFFFFF80  }
0x8a: {  	[spmem:s2] =	stream.indirect.scatter.add.f32 [tilespmem:s15], [sflag:$0x1], $0x1, s17, s14, $0xb8;
	[tilespmem:$0xFA20] =	vst v63  }
0x8b: {  	_ =	swait.ge [sflag:s4], $0x80  }
0x8c: {  	[sflag:s4] =	ssyncset.done $0x0  }
0x8d: {  	[sflag:s4] =	ssyncadd.s32 $0xFFFFFF80  }
0x8e: {  	[spmem:s2] =	stream.indirect.scatter.add.f32 [tilespmem:s15], [sflag:$0x1], $0x1, s18, s14, $0xb8;
	[tilespmem:$0xFA20] =	vst v63  }
0x8f: {  	_ =	swait.ge [sflag:s4], $0x80  }
0x90: {  	[sflag:s4] =	ssyncset.done $0x0  }
0x91: {  	[sflag:s4] =	ssyncadd.s32 $0xFFFFFF80  }
0x92: {  	[spmem:s2] =	stream.indirect.scatter.add.f32 [tilespmem:s15], [sflag:$0x1], $0x1, s19, s14, $0xb8;
	[tilespmem:$0xFA20] =	vst v63  }
0x93: {  	_ =	swait.ge [sflag:s4], $0x80  }
0x94: {  	[sflag:s4] =	ssyncset.done $0x0  }
0x95: {  	[sflag:s4] =	ssyncadd.s32 $0xFFFFFF80  }
0x96: {  	[spmem:s2] =	stream.indirect.scatter.add.f32 [tilespmem:s15], [sflag:$0x1], $0x1, s20, s14, $0xb8;
	[tilespmem:$0xFA20] =	vst v63  }
0x97: {  	_ =	swait.ge [sflag:s4], $0x80  }
0x98: {  	[sflag:s4] =	ssyncset.done $0x0  }
0x99: {  	[sflag:s4] =	ssyncadd.s32 $0xFFFFFF80  }
0x9a: {  	[spmem:s2] =	stream.indirect.scatter.add.f32 [tilespmem:s15], [sflag:$0x1], $0x1, s21, s14, $0xb8;
	[tilespmem:$0xFA20] =	vst v63  }
0x9b: {  	_ =	swait.ge [sflag:s4], $0x80  }
0x9c: {  	[sflag:s4] =	ssyncset.done $0x0  }
0x9d: {  	[sflag:s4] =	ssyncadd.s32 $0xFFFFFF80  }
0x9e: {  	[bflag:$0x0] =	sbarrier.arrive $0xFFFF  }
0x9f: {  	[tilespmem:s12], [sflag:$0x1] =	stream.linear.gather @!p0 [spmem:s22], $0x7A00, $0x38;
	[tilespmem:$0xFA20] =	vst v63  }
0xa0: {  	_ =	swait.ge @!p0 [sflag:s13], $0x7A00  }
0xa1: {  	[sflag:s13] =	ssyncset.done @!p0 $0x0  }
0xa2: {  	[sflag:s13] =	ssyncadd.s32 @!p0 $0xFFFF8600  }
0xa3: {  	[hbm4b:s23+s24] =	stream.linear.scatter @!p0 [tilespmem:s12], [sflag:$0x1], $0x7A00, $0x38;
	[tilespmem:$0xFA20] =	vst v63  }
0xa4: {  	_ =	swait.ge @!p0 [sflag:s13], $0x7A00  }
0xa5: {  	[sflag:s13] =	ssyncset.done @!p0 $0x0  }
0xa6: {  	[sflag:s13] =	ssyncadd.s32 @!p0 $0xFFFF8600  }
0xa7: {  	[tilespmem:s25], [sflag:$0x1] =	stream.linear.gather @p3 [spmem:s6], $0x7B80, $0x38;
	[tilespmem:$0xFA20] =	vst v63  }
0xa8: {  	s1 =	sadd.s32 $0xFFFFFFFF, s1;
	_ =	swait.ge @p3 [sflag:s26], $0x7B80  }
0xa9: {  	p5 =	sne.s32 s1, $0x0;
	[sflag:s26] =	ssyncset.done @p3 $0x0  }
.Ltmp1:
0xaa: {  	[sflag:s26] =	ssyncadd.s32 @p3 $0xFFFF8480;
	(pc) =	sbr.rel @p5 .LBB2_2-.Ltmp1, $4  }
0xab: {  	[hbm4b:s30+s0] =	stream.linear.scatter @p3 [tilespmem:s25], [sflag:$0x1], $0x7B80, $0x38;
	[tilespmem:$0xFA20] =	vst v63  }
0xac: {  	_ =	swait.ge @p3 [sflag:s26], $0x7B80  }
0xad: {  	[sflag:s26] =	ssyncset.done @p3 $0x0  }
0xae: {  	[sflag:s26] =	ssyncadd.s32 @p3 $0xFFFF8480  }
.LBB2_3:
0xaf: {  	[tilespmem:s31], [sflag:$0x1] =	stream.linear.gather @p4 [spmem:s6], $0x7B00, $0x38;
	[tilespmem:$0xFA20] =	vst v63  }
0xb0: {  	_ =	swait.ge @p4 [sflag:s29], $0x7B00  }
0xb1: {  	[sflag:s29] =	ssyncset.done @p4 $0x0  }
0xb2: {  	s0 =	simm.s32 @p4 $0x0;
	[sflag:s29] =	ssyncadd.s32 @p4 $0xFFFF8500  }
0xb3: {  	[hbm4b:s28+s0] =	stream.linear.scatter @p4 [tilespmem:s31], [sflag:$0x1], $0x7B00, $0x38;
	[tilespmem:$0xFA20] =	vst v63  }
0xb4: {  	_ =	swait.ge @p4 [sflag:s29], $0x7B00  }
0xb5: {  	[sflag:s29] =	ssyncset.done @p4 $0x0  }
0xb6: {  	[sflag:s29] =	ssyncadd.s32 @p4 $0xFFFF8500  }
0xb7: {  	_ =	sfence.sel $0x180000  }
0xb8: {  	[bflag:$0x0] =	sbarrier.arrive $0xFFFF  }
0xb9: {  	_ =	strace $0x90000047  }
0xba: {  	s31 =	stileid.u32;
	[bflag:$0x2] =	sbarrier.arrive $0xFFFF  }
0xbb: {  	p0 =	sne.s32 s31, $0x0;
	s0 =	rddreg [dreg:$0x3]  }
0xbc: {  	s0 =	sadd.s32 @!p0 $0x100000, s0  }
0xbd: {  	[sflag:s0] =	ssyncadd.tile.s32 @!p0 $0x1;
	_ =	shalt  }
.Lfunc_end2:
_tile_overlayer_lowered:
.L_overlay_start_2:
0xbe: {  	(tag) =	ssettag $0x2  }
0xbf: {  	s0 =	rddreg [dreg:$0x0];
	s2 =	stileid.u32  }
0xc0: {  	s1 =	rddreg [dreg:$0x1];
	p0 =	sne.s32 s2, $0x0  }
0xc1: {  	s3 =	rddreg [dreg:$0x2];
	[bflag:$0x3] =	sbarrier.arrive $0xFFFF;
	s2 =	simm.s32 @!p0 $0x1C01  }
0xc2: {  	[timem:s3], [sflag:s2] =	dma.local @!p0 [hbm:s0], s1  }
0xc3: {  	s0 =	simm.s32 @!p0 $0x1  }
0xc4: {  	_ =	swait.ge @!p0 [sflag:s0], s1  }
0xc5: {  	s1 =	ssub.s32 @!p0 $0x0, s1;
	[sflag:s0] =	ssyncset.done @!p0 $0x0  }
0xc6: {  	[sflag:s0] =	ssyncadd.s32 @!p0 s1  }
0xc7: {  	[bflag:$0x3] =	sbarrier.arrive $0xFFFF  }
0xc8: {  	_ =	shalt  }

</sc_bundles>
